<compile_context>
chip_gen: v7x
topology: tpu7x:2x2x1
jax: 0.10.2.dev20260603
libtpu: 0.0.44.dev20260713+nightly
codegen_flags: <defaults>
</compile_context>

<pallas_src>
import functools

import jax
import jax.numpy as jnp
from jax import lax
from jax.experimental import pallas as pl
from jax.experimental.pallas import tpu as pltpu
from jax.experimental.pallas import tpu_sc as plsc

N = 10000
E = 320000
D = 128

NC = 2
NS = 16
NW = NC * NS
CHUNK = 128
C = -(-E // (NW * CHUNK))
EP = NW * C * CHUNK
NP = 10240
RPT = NP // NS

_mesh = plsc.VectorSubcoreMesh(core_axis_name="c", subcore_axis_name="s")



@functools.partial(
    pl.kernel,
    out_type=(
        jax.ShapeDtypeStruct((NC, NP), jnp.float32),
        jax.ShapeDtypeStruct((NC, NP), jnp.float32),
    ),
    mesh=_mesh,
    scratch_types=[
        pltpu.VMEM((CHUNK,), jnp.int32),
        pltpu.VMEM((CHUNK,), jnp.int32),
        pltpu.VMEM((CHUNK,), jnp.float32),
        pltpu.VMEM_SHARED((NP,), jnp.float32),
        pltpu.VMEM_SHARED((NP,), jnp.float32),
    ],
)
def _sc_degrees(src_hbm, dst_hbm, zeros_hbm, do_hbm, di_hbm,
                sidx, didx, ones_v, acc_o, acc_i):
    cid = lax.axis_index("c")
    sid = lax.axis_index("s")
    wid = cid * NS + sid
    for i in range(CHUNK // 16):
        ones_v[pl.ds(i * 16, 16)] = jnp.ones((16,), jnp.float32)
    base = sid * RPT
    for k in range(RPT // CHUNK):
        pltpu.sync_copy(zeros_hbm.at[k], acc_o.at[pl.ds(base + k * CHUNK, CHUNK)])
        pltpu.sync_copy(zeros_hbm.at[k], acc_i.at[pl.ds(base + k * CHUNK, CHUNK)])
    plsc.subcore_barrier()

    def body(j, _):
        pltpu.sync_copy(src_hbm.at[wid, j], sidx)
        pltpu.sync_copy(dst_hbm.at[wid, j], didx)
        pltpu.sync_copy(ones_v, acc_o.at[sidx], add=True)
        pltpu.sync_copy(ones_v, acc_i.at[didx], add=True)
        return 0

    lax.fori_loop(0, C, body, 0)
    plsc.subcore_barrier()
    pltpu.sync_copy(acc_o.at[pl.ds(base, RPT)], do_hbm.at[cid, pl.ds(base, RPT)])
    pltpu.sync_copy(acc_i.at[pl.ds(base, RPT)], di_hbm.at[cid, pl.ds(base, RPT)])


@functools.partial(
    pl.kernel,
    out_type=jax.ShapeDtypeStruct((NC, NP, D), jnp.float32),
    mesh=_mesh,
    scratch_types=[
        pltpu.VMEM((CHUNK,), jnp.int32),
        pltpu.VMEM((CHUNK,), jnp.int32),
        pltpu.VMEM((CHUNK, D), jnp.float32),
        pltpu.VMEM_SHARED((NP, D), jnp.float32),
        pltpu.SemaphoreType.DMA,
    ],
)
def _sc_aggregate(hs_hbm, src_hbm, dst_hbm, zeros_hbm, out_hbm,
                  sidx, didx, rows, acc, sem):
    cid = lax.axis_index("c")
    sid = lax.axis_index("s")
    wid = cid * NS + sid
    base = sid * RPT
    pltpu.sync_copy(zeros_hbm.at[pl.ds(base, RPT)], acc.at[pl.ds(base, RPT)])
    plsc.subcore_barrier()

    def body(j, _):
        pltpu.sync_copy(src_hbm.at[wid, j], sidx)
        pltpu.async_copy(hs_hbm.at[sidx], rows, sem).wait()
        pltpu.sync_copy(dst_hbm.at[wid, j], didx)
        pltpu.sync_copy(rows, acc.at[didx], add=True)
        return 0

    lax.fori_loop(0, C, body, 0)
    plsc.subcore_barrier()
    pltpu.sync_copy(acc.at[pl.ds(base, RPT)], out_hbm.at[cid, pl.ds(base, RPT)])



_R = NP // 8


def _tc_first_body(dop, dip, x, w, hs, ns, nd):
    n_s = lax.rsqrt(dop[0] + dop[1] + 1.0)
    n_d = lax.rsqrt(dip[0] + dip[1] + 1.0)
    ns[...] = n_s
    nd[...] = n_d
    hs[...] = jnp.dot(x[...] * n_s, w[...], preferred_element_type=jnp.float32)


def _tc_first(dop, dip, x, w):
    return pl.pallas_call(
        _tc_first_body,
        grid=(8,),
        in_specs=[
            pl.BlockSpec((NC, _R, 1), lambda i: (0, i, 0)),
            pl.BlockSpec((NC, _R, 1), lambda i: (0, i, 0)),
            pl.BlockSpec((_R, D), lambda i: (i, 0)),
            pl.BlockSpec((D, D), lambda i: (0, 0)),
        ],
        out_specs=[
            pl.BlockSpec((_R, D), lambda i: (i, 0)),
            pl.BlockSpec((_R, 1), lambda i: (i, 0)),
            pl.BlockSpec((_R, 1), lambda i: (i, 0)),
        ],
        out_shape=[
            jax.ShapeDtypeStruct((NP, D), jnp.float32),
            jax.ShapeDtypeStruct((NP, 1), jnp.float32),
            jax.ShapeDtypeStruct((NP, 1), jnp.float32),
        ],
    )(dop, dip, x, w)


def _tc_mid_body(p, hs, nd, ns, b, w, out):
    agg = p[0] + p[1] + hs[...]
    h = jnp.maximum(agg * nd[...] + b[...], 0.0)
    out[...] = jnp.dot(h * ns[...], w[...], preferred_element_type=jnp.float32)


def _tc_mid(p, hs, nd, ns, b, w):
    return pl.pallas_call(
        _tc_mid_body,
        grid=(8,),
        in_specs=[
            pl.BlockSpec((NC, _R, D), lambda i: (0, i, 0)),
            pl.BlockSpec((_R, D), lambda i: (i, 0)),
            pl.BlockSpec((_R, 1), lambda i: (i, 0)),
            pl.BlockSpec((_R, 1), lambda i: (i, 0)),
            pl.BlockSpec((1, D), lambda i: (0, 0)),
            pl.BlockSpec((D, D), lambda i: (0, 0)),
        ],
        out_specs=pl.BlockSpec((_R, D), lambda i: (i, 0)),
        out_shape=jax.ShapeDtypeStruct((NP, D), jnp.float32),
    )(p, hs, nd, ns, b, w)


def _tc_last_body(p, hs, nd, b, out):
    out[...] = (p[0] + p[1] + hs[...]) * nd[...] + b[...]


def _tc_last(p, hs, nd, b):
    return pl.pallas_call(
        _tc_last_body,
        grid=(8,),
        in_specs=[
            pl.BlockSpec((NC, _R, D), lambda i: (0, i, 0)),
            pl.BlockSpec((_R, D), lambda i: (i, 0)),
            pl.BlockSpec((_R, 1), lambda i: (i, 0)),
            pl.BlockSpec((1, D), lambda i: (0, 0)),
        ],
        out_specs=pl.BlockSpec((_R, D), lambda i: (i, 0)),
        out_shape=jax.ShapeDtypeStruct((NP, D), jnp.float32),
    )(p, hs, nd, b)



def kernel(features, edge_index, W1, b1, W2, b2, W3, b3):
    src = edge_index[0].astype(jnp.int32)
    dst = edge_index[1].astype(jnp.int32)
    src3 = jnp.pad(src, (0, EP - E), constant_values=N).reshape(NW, C, CHUNK)
    dst3 = jnp.pad(dst, (0, EP - E), constant_values=N).reshape(NW, C, CHUNK)
    xp = jnp.pad(features, ((0, NP - N), (0, 0)))
    zeros = jnp.zeros((NP, D), jnp.float32)

    do_p, di_p = _sc_degrees(src3, dst3, zeros)
    dop = do_p.reshape(NC, NP, 1)
    dip = di_p.reshape(NC, NP, 1)

    hs, ns, nd = _tc_first(dop, dip, xp, W1)
    b1r = b1.reshape(1, D)
    b2r = b2.reshape(1, D)
    b3r = b3.reshape(1, D)

    p = _sc_aggregate(hs, src3, dst3, zeros)
    hs = _tc_mid(p, hs, nd, ns, b1r, W2)
    p = _sc_aggregate(hs, src3, dst3, zeros)
    hs = _tc_mid(p, hs, nd, ns, b2r, W2)
    p = _sc_aggregate(hs, src3, dst3, zeros)
    hs = _tc_mid(p, hs, nd, ns, b2r, W3)
    p = _sc_aggregate(hs, src3, dst3, zeros)
    out = _tc_last(p, hs, nd, b3r)
    return out[:N]

# --- scband reference (transcript-rebuilt; emitter-appended) ---
"""Pipeline reference for scband-graph-sage-31095563223159 (READ-ONLY COPY).

The authoritative reference and input builder live on the scoring server;
editing this copy changes nothing except your own understanding.
"""

import jax, jax.numpy as jnp
import numpy as np

N = 10000
E = 320000
IN_DIM = 128
HID = 128
OUT = 128


def _glorot(key, fan_in, fan_out):
    limit = np.sqrt(6.0 / (fan_in + fan_out))
    return jax.random.uniform(key, (fan_in, fan_out), dtype=jnp.float32, minval=-limit, maxval=limit)


def setup_inputs(seed: int = 0) -> dict:
    key = jax.random.key(seed)
    ks = jax.random.split(key, 8)
    features = jax.random.normal(ks[0], (N, IN_DIM), dtype=jnp.float32)
    edge_index = jax.random.randint(ks[1], (2, E), 0, N)
    W1 = _glorot(ks[2], IN_DIM, HID)
    b1 = jnp.zeros((HID,), dtype=jnp.float32)
    W2 = _glorot(ks[3], HID, HID)
    b2 = jnp.zeros((HID,), dtype=jnp.float32)
    W3 = _glorot(ks[4], HID, OUT)
    b3 = jnp.zeros((OUT,), dtype=jnp.float32)
    return {"features": features, "edge_index": edge_index,
            "W1": W1, "b1": b1, "W2": W2, "b2": b2, "W3": W3, "b3": b3}


def reference(features, edge_index, W1, b1, W2, b2, W3, b3):
    # DGL: g = dgl.add_self_loop(g)
    src0 = edge_index[0]
    dst0 = edge_index[1]
    loop = jnp.arange(N, dtype=src0.dtype)
    src = jnp.concatenate([src0, loop])
    dst = jnp.concatenate([dst0, loop])

    # GraphConv norm='both': h_src * out_deg^-1/2 -> sum aggregate -> * in_deg^-1/2
    deg_out = jnp.zeros((N,), jnp.float32).at[src].add(1.0)
    deg_in = jnp.zeros((N,), jnp.float32).at[dst].add(1.0)
    norm_src = jax.lax.rsqrt(jnp.maximum(deg_out, 1.0))[:, None]
    norm_dst = jax.lax.rsqrt(jnp.maximum(deg_in, 1.0))[:, None]

    def graph_conv(h, W, b):
        h = h * norm_src
        h = h @ W
        agg = jax.ops.segment_sum(h[src], dst, num_segments=N)
        return agg * norm_dst + b

    h = jax.nn.relu(graph_conv(features, W1, b1))
    h = jax.nn.relu(graph_conv(h, W2, b2))
    # NOTE: source applies conv2 twice (faithful to the snippet)
    h = jax.nn.relu(graph_conv(h, W2, b2))
    h = graph_conv(h, W3, b3)
    return h

if __name__ == "__main__":
    import jax
    _d = setup_inputs()
    print(jax.jit(kernel)(*tuple(_d.values())))

</pallas_src>

<mosaic_0001>
#map = affine_map<(d0, d1) -> (0, 0)>
#map1 = affine_map<(d0, d1) -> (0, 0, 0)>
module attributes {stable_mosaic.version = 14 : i64} {
  func.func @_sc_aggregate(%arg0: i32, %arg1: i32, %arg2: memref<10240x128xf32, #tpu.memory_space<hbm>>, %arg3: memref<32x79x128xi32, #tpu.memory_space<hbm>>, %arg4: memref<32x79x128xi32, #tpu.memory_space<hbm>>, %arg5: memref<10240x128xf32, #tpu.memory_space<hbm>>, %arg6: memref<2x10240x128xf32, #tpu.memory_space<hbm>>, %arg7: memref<128xi32, #tpu.memory_space<vmem>>, %arg8: memref<128xi32, #tpu.memory_space<vmem>>, %arg9: memref<128x128xf32, #tpu.memory_space<vmem>>, %arg10: memref<10240x128xf32, #tpu.memory_space<vmem_shared>>, %arg11: memref<!tpu.dma_semaphore, #tpu.memory_space<semaphore_mem>>) attributes {dimension_semantics = [#tpu.dimension_semantics<core_parallel>, #tpu.dimension_semantics<subcore_parallel>], iteration_bounds = array<i64: 2, 16>, scalar_prefetch = 0 : i64, scratch_operands = 5 : i64, tpu.core_type = #tpu.core_type<sc_vector_subcore>, window_params = [{transform_indices = #map}, {transform_indices = #map1}, {transform_indices = #map1}, {transform_indices = #map}, {transform_indices = #map1}]} {
    %mul3A = arith.constant 16 : i32
    %mul3A_0 = arith.muli %arg0, %mul3A : i32
    %add3A = arith.addi %mul3A_0, %arg1 : i32
    %mul3A_1 = arith.constant 640 : i32
    %mul3A_2 = arith.muli %arg1, %mul3A_1 : i32
    "tpu.region"() ({
      %run_scoped3A = tpu.sem_alloc : memref<!tpu.dma_semaphore, #tpu.memory_space<semaphore_mem>>
      %dma_start3A = arith.constant 0 : i32
      %dma_start3A_10 = tpu.memref_slice %arg10[%mul3A_2, %dma_start3A] : memref<10240x128xf32, #tpu.memory_space<vmem_shared>> -> memref<640x128xf32, #tpu.memory_space<vmem_shared>>
      %dma_start3A_11 = arith.constant 0 : i32
      %dma_start3A_12 = tpu.memref_slice %arg5[%mul3A_2, %dma_start3A_11] : memref<10240x128xf32, #tpu.memory_space<hbm>> -> memref<640x128xf32, #tpu.memory_space<hbm>>
      tpu.enqueue_dma source(%dma_start3A_12 : memref<640x128xf32, #tpu.memory_space<hbm>>) target(%dma_start3A_10 : memref<640x128xf32, #tpu.memory_space<vmem_shared>>) target_semaphore(%run_scoped3A : memref<!tpu.dma_semaphore, #tpu.memory_space<semaphore_mem>>)
      %dma_wait3A = arith.constant 0 : i32
      %dma_wait3A_13 = tpu.memref_slice %arg10[%mul3A_2, %dma_wait3A] : memref<10240x128xf32, #tpu.memory_space<vmem_shared>> -> memref<640x128xf32, #tpu.memory_space<vmem_shared>>
      %dma_wait3A_14 = arith.constant 0 : i32
      %dma_wait3A_15 = tpu.memref_slice %arg5[%mul3A_2, %dma_wait3A_14] : memref<10240x128xf32, #tpu.memory_space<hbm>> -> memref<640x128xf32, #tpu.memory_space<hbm>>
      tpu.wait_dma2 semaphore(%run_scoped3A : memref<!tpu.dma_semaphore, #tpu.memory_space<semaphore_mem>>) src(%dma_wait3A_15 : memref<640x128xf32, #tpu.memory_space<hbm>>) dst(%dma_wait3A_13 : memref<640x128xf32, #tpu.memory_space<vmem_shared>>)
      tpu.yield
    }) : () -> ()
    %barrier3A = arith.constant 0 : index
    tpu.barrier barrier_id(%barrier3A)
    %scan3A = arith.constant 0 : i32
    %scan3A_3 = arith.constant 0 : i32
    %scan3A_4 = arith.constant 79 : i32
    %scan3A_5 = arith.addi %scan3A_3, %scan3A_4 : i32
    %scan3A_6 = arith.constant 1 : i32
    %scan3A_7 = scf.for %scan3A_10 = %scan3A_3 to %scan3A_5 step %scan3A_6 iter_args(%scan3A_11 = %scan3A) -> (i32)  : i32 {
      "tpu.region"() ({
        %run_scoped3A = tpu.sem_alloc : memref<!tpu.dma_semaphore, #tpu.memory_space<semaphore_mem>>
        %dma_start3A_17 = arith.constant 0 : i32
        %dma_start3A_18 = tpu.memref_slice %arg3[%add3A, %scan3A_10, %dma_start3A_17] : memref<32x79x128xi32, #tpu.memory_space<hbm>> -> memref<1x1x128xi32, #tpu.memory_space<hbm>>
        %dma_start3A_19 = tpu.memref_squeeze %dma_start3A_18 : memref<1x1x128xi32, #tpu.memory_space<hbm>> -> memref<128xi32, #tpu.memory_space<hbm>>
        %dma_start3A_20 = arith.constant 0 : i32
        %dma_start3A_21 = tpu.memref_slice %arg3[%add3A, %scan3A_10, %dma_start3A_20] : memref<32x79x128xi32, #tpu.memory_space<hbm>> -> memref<1x1x128xi32, #tpu.memory_space<hbm>>
        %dma_start3A_22 = tpu.memref_squeeze %dma_start3A_21 : memref<1x1x128xi32, #tpu.memory_space<hbm>> -> memref<128xi32, #tpu.memory_space<hbm>>
        tpu.enqueue_dma source(%dma_start3A_22 : memref<128xi32, #tpu.memory_space<hbm>>) target(%arg7 : memref<128xi32, #tpu.memory_space<vmem>>) target_semaphore(%run_scoped3A : memref<!tpu.dma_semaphore, #tpu.memory_space<semaphore_mem>>)
        %dma_wait3A_23 = arith.constant 0 : i32
        %dma_wait3A_24 = tpu.memref_slice %arg3[%add3A, %scan3A_10, %dma_wait3A_23] : memref<32x79x128xi32, #tpu.memory_space<hbm>> -> memref<1x1x128xi32, #tpu.memory_space<hbm>>
        %dma_wait3A_25 = tpu.memref_squeeze %dma_wait3A_24 : memref<1x1x128xi32, #tpu.memory_space<hbm>> -> memref<128xi32, #tpu.memory_space<hbm>>
        %dma_wait3A_26 = arith.constant 0 : i32
        %dma_wait3A_27 = tpu.memref_slice %arg3[%add3A, %scan3A_10, %dma_wait3A_26] : memref<32x79x128xi32, #tpu.memory_space<hbm>> -> memref<1x1x128xi32, #tpu.memory_space<hbm>>
        %dma_wait3A_28 = tpu.memref_squeeze %dma_wait3A_27 : memref<1x1x128xi32, #tpu.memory_space<hbm>> -> memref<128xi32, #tpu.memory_space<hbm>>
        tpu.wait_dma2 semaphore(%run_scoped3A : memref<!tpu.dma_semaphore, #tpu.memory_space<semaphore_mem>>) src(%dma_wait3A_28 : memref<128xi32, #tpu.memory_space<hbm>>) dst(%arg7 : memref<128xi32, #tpu.memory_space<vmem>>)
        tpu.yield
      }) : () -> ()
      %dma_start3A = arith.constant 0 : i32
      %dma_start3A_12 = arith.constant 0 : i32
      %dma_start3A_13 = tpu.memref_slice %arg2[%dma_start3A, %dma_start3A_12] : memref<10240x128xf32, #tpu.memory_space<hbm>> -> memref<10240x128xf32, #tpu.memory_space<hbm>>
      tpu.enqueue_indirect_dma source(%dma_start3A_13 : memref<10240x128xf32, #tpu.memory_space<hbm>>) target(%arg9 : memref<128x128xf32, #tpu.memory_space<vmem>>) offsets(%arg7 : memref<128xi32, #tpu.memory_space<vmem>>) semaphore(%arg11 : memref<!tpu.dma_semaphore, #tpu.memory_space<semaphore_mem>>)
      %dma_wait3A = arith.constant 0 : i32
      %dma_wait3A_14 = arith.constant 0 : i32
      %dma_wait3A_15 = tpu.memref_slice %arg2[%dma_wait3A, %dma_wait3A_14] : memref<10240x128xf32, #tpu.memory_space<hbm>> -> memref<10240x128xf32, #tpu.memory_space<hbm>>
      tpu.wait_indirect_dma semaphore(%arg11 : memref<!tpu.dma_semaphore, #tpu.memory_space<semaphore_mem>>) src(%dma_wait3A_15 : memref<10240x128xf32, #tpu.memory_space<hbm>>) dst(%arg9 : memref<128x128xf32, #tpu.memory_space<vmem>>)
      "tpu.region"() ({
        %run_scoped3A = tpu.sem_alloc : memref<!tpu.dma_semaphore, #tpu.memory_space<semaphore_mem>>
        %dma_start3A_17 = arith.constant 0 : i32
        %dma_start3A_18 = tpu.memref_slice %arg4[%add3A, %scan3A_10, %dma_start3A_17] : memref<32x79x128xi32, #tpu.memory_space<hbm>> -> memref<1x1x128xi32, #tpu.memory_space<hbm>>
        %dma_start3A_19 = tpu.memref_squeeze %dma_start3A_18 : memref<1x1x128xi32, #tpu.memory_space<hbm>> -> memref<128xi32, #tpu.memory_space<hbm>>
        %dma_start3A_20 = arith.constant 0 : i32
        %dma_start3A_21 = tpu.memref_slice %arg4[%add3A, %scan3A_10, %dma_start3A_20] : memref<32x79x128xi32, #tpu.memory_space<hbm>> -> memref<1x1x128xi32, #tpu.memory_space<hbm>>
        %dma_start3A_22 = tpu.memref_squeeze %dma_start3A_21 : memref<1x1x128xi32, #tpu.memory_space<hbm>> -> memref<128xi32, #tpu.memory_space<hbm>>
        tpu.enqueue_dma source(%dma_start3A_22 : memref<128xi32, #tpu.memory_space<hbm>>) target(%arg8 : memref<128xi32, #tpu.memory_space<vmem>>) target_semaphore(%run_scoped3A : memref<!tpu.dma_semaphore, #tpu.memory_space<semaphore_mem>>)
        %dma_wait3A_23 = arith.constant 0 : i32
        %dma_wait3A_24 = tpu.memref_slice %arg4[%add3A, %scan3A_10, %dma_wait3A_23] : memref<32x79x128xi32, #tpu.memory_space<hbm>> -> memref<1x1x128xi32, #tpu.memory_space<hbm>>
        %dma_wait3A_25 = tpu.memref_squeeze %dma_wait3A_24 : memref<1x1x128xi32, #tpu.memory_space<hbm>> -> memref<128xi32, #tpu.memory_space<hbm>>
        %dma_wait3A_26 = arith.constant 0 : i32
        %dma_wait3A_27 = tpu.memref_slice %arg4[%add3A, %scan3A_10, %dma_wait3A_26] : memref<32x79x128xi32, #tpu.memory_space<hbm>> -> memref<1x1x128xi32, #tpu.memory_space<hbm>>
        %dma_wait3A_28 = tpu.memref_squeeze %dma_wait3A_27 : memref<1x1x128xi32, #tpu.memory_space<hbm>> -> memref<128xi32, #tpu.memory_space<hbm>>
        tpu.wait_dma2 semaphore(%run_scoped3A : memref<!tpu.dma_semaphore, #tpu.memory_space<semaphore_mem>>) src(%dma_wait3A_28 : memref<128xi32, #tpu.memory_space<hbm>>) dst(%arg8 : memref<128xi32, #tpu.memory_space<vmem>>)
        tpu.yield
      }) : () -> ()
      "tpu.region"() ({
        %run_scoped3A = tpu.sem_alloc : memref<!tpu.dma_semaphore, #tpu.memory_space<semaphore_mem>>
        %dma_start3A_17 = arith.constant 0 : i32
        %dma_start3A_18 = arith.constant 0 : i32
        %dma_start3A_19 = tpu.memref_slice %arg10[%dma_start3A_17, %dma_start3A_18] : memref<10240x128xf32, #tpu.memory_space<vmem_shared>> -> memref<10240x128xf32, #tpu.memory_space<vmem_shared>>
        tpu.enqueue_indirect_dma source(%arg9 : memref<128x128xf32, #tpu.memory_space<vmem>>) target(%dma_start3A_19 : memref<10240x128xf32, #tpu.memory_space<vmem_shared>>) offsets(%arg8 : memref<128xi32, #tpu.memory_space<vmem>>) semaphore(%run_scoped3A : memref<!tpu.dma_semaphore, #tpu.memory_space<semaphore_mem>>) {add = true}
        %dma_wait3A_20 = arith.constant 0 : i32
        %dma_wait3A_21 = arith.constant 0 : i32
        %dma_wait3A_22 = tpu.memref_slice %arg10[%dma_wait3A_20, %dma_wait3A_21] : memref<10240x128xf32, #tpu.memory_space<vmem_shared>> -> memref<10240x128xf32, #tpu.memory_space<vmem_shared>>
        tpu.wait_indirect_dma semaphore(%run_scoped3A : memref<!tpu.dma_semaphore, #tpu.memory_space<semaphore_mem>>) src(%arg9 : memref<128x128xf32, #tpu.memory_space<vmem>>) dst(%dma_wait3A_22 : memref<10240x128xf32, #tpu.memory_space<vmem_shared>>)
        tpu.yield
      }) : () -> ()
      %scan3A_16 = arith.constant 0 : i32
      scf.yield %scan3A_16 : i32
    }
    %scan3A_8 = arith.constant 79 : i32
    %barrier3A_9 = arith.constant 0 : index
    tpu.barrier barrier_id(%barrier3A_9)
    "tpu.region"() ({
      %run_scoped3A = tpu.sem_alloc : memref<!tpu.dma_semaphore, #tpu.memory_space<semaphore_mem>>
      %dma_start3A = arith.constant 0 : i32
      %dma_start3A_10 = tpu.memref_slice %arg6[%arg0, %mul3A_2, %dma_start3A] : memref<2x10240x128xf32, #tpu.memory_space<hbm>> -> memref<1x640x128xf32, #tpu.memory_space<hbm>>
      %dma_start3A_11 = tpu.memref_squeeze %dma_start3A_10 : memref<1x640x128xf32, #tpu.memory_space<hbm>> -> memref<640x128xf32, #tpu.memory_space<hbm>>
      %dma_start3A_12 = arith.constant 0 : i32
      %dma_start3A_13 = tpu.memref_slice %arg10[%mul3A_2, %dma_start3A_12] : memref<10240x128xf32, #tpu.memory_space<vmem_shared>> -> memref<640x128xf32, #tpu.memory_space<vmem_shared>>
      tpu.enqueue_dma source(%dma_start3A_13 : memref<640x128xf32, #tpu.memory_space<vmem_shared>>) target(%dma_start3A_11 : memref<640x128xf32, #tpu.memory_space<hbm>>) target_semaphore(%run_scoped3A : memref<!tpu.dma_semaphore, #tpu.memory_space<semaphore_mem>>)
      %dma_wait3A = arith.constant 0 : i32
      %dma_wait3A_14 = tpu.memref_slice %arg6[%arg0, %mul3A_2, %dma_wait3A] : memref<2x10240x128xf32, #tpu.memory_space<hbm>> -> memref<1x640x128xf32, #tpu.memory_space<hbm>>
      %dma_wait3A_15 = tpu.memref_squeeze %dma_wait3A_14 : memref<1x640x128xf32, #tpu.memory_space<hbm>> -> memref<640x128xf32, #tpu.memory_space<hbm>>
      %dma_wait3A_16 = arith.constant 0 : i32
      %dma_wait3A_17 = tpu.memref_slice %arg10[%mul3A_2, %dma_wait3A_16] : memref<10240x128xf32, #tpu.memory_space<vmem_shared>> -> memref<640x128xf32, #tpu.memory_space<vmem_shared>>
      tpu.wait_dma2 semaphore(%run_scoped3A : memref<!tpu.dma_semaphore, #tpu.memory_space<semaphore_mem>>) src(%dma_wait3A_17 : memref<640x128xf32, #tpu.memory_space<vmem_shared>>) dst(%dma_wait3A_15 : memref<640x128xf32, #tpu.memory_space<hbm>>)
      tpu.yield
    }) : () -> ()
    return
  }
}

#map = affine_map<(d0, d1) -> (0, 0, 0)>
#map1 = affine_map<(d0, d1) -> (0, 0)>
module attributes {stable_mosaic.version = 14 : i64} {
  func.func @_sc_degrees(%arg0: i32, %arg1: i32, %arg2: memref<32x79x128xi32, #tpu.memory_space<hbm>>, %arg3: memref<32x79x128xi32, #tpu.memory_space<hbm>>, %arg4: memref<10240x128xf32, #tpu.memory_space<hbm>>, %arg5: memref<2x10240xf32, #tpu.memory_space<hbm>>, %arg6: memref<2x10240xf32, #tpu.memory_space<hbm>>, %arg7: memref<128xi32, #tpu.memory_space<vmem>>, %arg8: memref<128xi32, #tpu.memory_space<vmem>>, %arg9: memref<128xf32, #tpu.memory_space<vmem>>, %arg10: memref<10240xf32, #tpu.memory_space<vmem_shared>>, %arg11: memref<10240xf32, #tpu.memory_space<vmem_shared>>) attributes {dimension_semantics = [#tpu.dimension_semantics<core_parallel>, #tpu.dimension_semantics<subcore_parallel>], iteration_bounds = array<i64: 2, 16>, scalar_prefetch = 0 : i64, scratch_operands = 5 : i64, tpu.core_type = #tpu.core_type<sc_vector_subcore>, window_params = [{transform_indices = #map}, {transform_indices = #map}, {transform_indices = #map1}, {transform_indices = #map1}, {transform_indices = #map1}]} {
    %mul3A = arith.constant 16 : i32
    %mul3A_0 = arith.muli %arg0, %mul3A : i32
    %add3A = arith.addi %mul3A_0, %arg1 : i32
    %broadcast_in_dim3A = arith.constant 1.000000e+00 : f32
    %broadcast_in_dim3A_1 = vector.broadcast %broadcast_in_dim3A : f32 to vector<16xf32>
    %swap3A = arith.constant 0 : index
    %swap3A_2 = tpu.vector_load %arg9[%swap3A] {strides = array<i32>} : memref<128xf32, #tpu.memory_space<vmem>>, vector<16xf32>,
    %swap3A_3 = vector.shape_cast %swap3A_2 : vector<16xf32> to vector<16xf32>
    %swap3A_4 = vector.shape_cast %broadcast_in_dim3A_1 : vector<16xf32> to vector<16xf32>
    tpu.vector_store %arg9[%swap3A], %swap3A_4 {strides = array<i32>} : memref<128xf32, #tpu.memory_space<vmem>>, vector<16xf32>,
    %broadcast_in_dim3A_5 = arith.constant 1.000000e+00 : f32
    %broadcast_in_dim3A_6 = vector.broadcast %broadcast_in_dim3A_5 : f32 to vector<16xf32>
    %swap3A_7 = arith.constant 16 : index
    %swap3A_8 = tpu.vector_load %arg9[%swap3A_7] {strides = array<i32>} : memref<128xf32, #tpu.memory_space<vmem>>, vector<16xf32>,
    %swap3A_9 = vector.shape_cast %swap3A_8 : vector<16xf32> to vector<16xf32>
    %swap3A_10 = vector.shape_cast %broadcast_in_dim3A_6 : vector<16xf32> to vector<16xf32>
    tpu.vector_store %arg9[%swap3A_7], %swap3A_10 {strides = array<i32>} : memref<128xf32, #tpu.memory_space<vmem>>, vector<16xf32>,
    %broadcast_in_dim3A_11 = arith.constant 1.000000e+00 : f32
    %broadcast_in_dim3A_12 = vector.broadcast %broadcast_in_dim3A_11 : f32 to vector<16xf32>
    %swap3A_13 = arith.constant 32 : index
    %swap3A_14 = tpu.vector_load %arg9[%swap3A_13] {strides = array<i32>} : memref<128xf32, #tpu.memory_space<vmem>>, vector<16xf32>,
    %swap3A_15 = vector.shape_cast %swap3A_14 : vector<16xf32> to vector<16xf32>
    %swap3A_16 = vector.shape_cast %broadcast_in_dim3A_12 : vector<16xf32> to vector<16xf32>
    tpu.vector_store %arg9[%swap3A_13], %swap3A_16 {strides = array<i32>} : memref<128xf32, #tpu.memory_space<vmem>>, vector<16xf32>,
    %broadcast_in_dim3A_17 = arith.constant 1.000000e+00 : f32
    %broadcast_in_dim3A_18 = vector.broadcast %broadcast_in_dim3A_17 : f32 to vector<16xf32>
    %swap3A_19 = arith.constant 48 : index
    %swap3A_20 = tpu.vector_load %arg9[%swap3A_19] {strides = array<i32>} : memref<128xf32, #tpu.memory_space<vmem>>, vector<16xf32>,
    %swap3A_21 = vector.shape_cast %swap3A_20 : vector<16xf32> to vector<16xf32>
    %swap3A_22 = vector.shape_cast %broadcast_in_dim3A_18 : vector<16xf32> to vector<16xf32>
    tpu.vector_store %arg9[%swap3A_19], %swap3A_22 {strides = array<i32>} : memref<128xf32, #tpu.memory_space<vmem>>, vector<16xf32>,
    %broadcast_in_dim3A_23 = arith.constant 1.000000e+00 : f32
    %broadcast_in_dim3A_24 = vector.broadcast %broadcast_in_dim3A_23 : f32 to vector<16xf32>
    %swap3A_25 = arith.constant 64 : index
    %swap3A_26 = tpu.vector_load %arg9[%swap3A_25] {strides = array<i32>} : memref<128xf32, #tpu.memory_space<vmem>>, vector<16xf32>,
    %swap3A_27 = vector.shape_cast %swap3A_26 : vector<16xf32> to vector<16xf32>
    %swap3A_28 = vector.shape_cast %broadcast_in_dim3A_24 : vector<16xf32> to vector<16xf32>
    tpu.vector_store %arg9[%swap3A_25], %swap3A_28 {strides = array<i32>} : memref<128xf32, #tpu.memory_space<vmem>>, vector<16xf32>,
    %broadcast_in_dim3A_29 = arith.constant 1.000000e+00 : f32
    %broadcast_in_dim3A_30 = vector.broadcast %broadcast_in_dim3A_29 : f32 to vector<16xf32>
    %swap3A_31 = arith.constant 80 : index
    %swap3A_32 = tpu.vector_load %arg9[%swap3A_31] {strides = array<i32>} : memref<128xf32, #tpu.memory_space<vmem>>, vector<16xf32>,
    %swap3A_33 = vector.shape_cast %swap3A_32 : vector<16xf32> to vector<16xf32>
    %swap3A_34 = vector.shape_cast %broadcast_in_dim3A_30 : vector<16xf32> to vector<16xf32>
    tpu.vector_store %arg9[%swap3A_31], %swap3A_34 {strides = array<i32>} : memref<128xf32, #tpu.memory_space<vmem>>, vector<16xf32>,
    %broadcast_in_dim3A_35 = arith.constant 1.000000e+00 : f32
    %broadcast_in_dim3A_36 = vector.broadcast %broadcast_in_dim3A_35 : f32 to vector<16xf32>
    %swap3A_37 = arith.constant 96 : index
    %swap3A_38 = tpu.vector_load %arg9[%swap3A_37] {strides = array<i32>} : memref<128xf32, #tpu.memory_space<vmem>>, vector<16xf32>,
    %swap3A_39 = vector.shape_cast %swap3A_38 : vector<16xf32> to vector<16xf32>
    %swap3A_40 = vector.shape_cast %broadcast_in_dim3A_36 : vector<16xf32> to vector<16xf32>
    tpu.vector_store %arg9[%swap3A_37], %swap3A_40 {strides = array<i32>} : memref<128xf32, #tpu.memory_space<vmem>>, vector<16xf32>,
    %broadcast_in_dim3A_41 = arith.constant 1.000000e+00 : f32
    %broadcast_in_dim3A_42 = vector.broadcast %broadcast_in_dim3A_41 : f32 to vector<16xf32>
    %swap3A_43 = arith.constant 112 : index
    %swap3A_44 = tpu.vector_load %arg9[%swap3A_43] {strides = array<i32>} : memref<128xf32, #tpu.memory_space<vmem>>, vector<16xf32>,
    %swap3A_45 = vector.shape_cast %swap3A_44 : vector<16xf32> to vector<16xf32>
    %swap3A_46 = vector.shape_cast %broadcast_in_dim3A_42 : vector<16xf32> to vector<16xf32>
    tpu.vector_store %arg9[%swap3A_43], %swap3A_46 {strides = array<i32>} : memref<128xf32, #tpu.memory_space<vmem>>, vector<16xf32>,
    %mul3A_47 = arith.constant 640 : i32
    %mul3A_48 = arith.muli %arg1, %mul3A_47 : i32
    %add3A_49 = arith.constant 0 : i32
    %add3A_50 = arith.addi %mul3A_48, %add3A_49 : i32
    %run_scoped3A = arith.constant 0 : i32
    "tpu.region"() ({
      %run_scoped3A_85 = tpu.sem_alloc : memref<!tpu.dma_semaphore, #tpu.memory_space<semaphore_mem>>
      %dma_start3A = tpu.memref_slice %arg10[%add3A_50] : memref<10240xf32, #tpu.memory_space<vmem_shared>> -> memref<128xf32, #tpu.memory_space<vmem_shared>>
      %dma_start3A_86 = arith.constant 0 : i32
      %dma_start3A_87 = tpu.memref_slice %arg4[%run_scoped3A, %dma_start3A_86] : memref<10240x128xf32, #tpu.memory_space<hbm>> -> memref<1x128xf32, #tpu.memory_space<hbm>>
      %dma_start3A_88 = tpu.memref_squeeze %dma_start3A_87 : memref<1x128xf32, #tpu.memory_space<hbm>> -> memref<128xf32, #tpu.memory_space<hbm>>
      tpu.enqueue_dma source(%dma_start3A_88 : memref<128xf32, #tpu.memory_space<hbm>>) target(%dma_start3A : memref<128xf32, #tpu.memory_space<vmem_shared>>) target_semaphore(%run_scoped3A_85 : memref<!tpu.dma_semaphore, #tpu.memory_space<semaphore_mem>>)
      %dma_wait3A = tpu.memref_slice %arg10[%add3A_50] : memref<10240xf32, #tpu.memory_space<vmem_shared>> -> memref<128xf32, #tpu.memory_space<vmem_shared>>
      %dma_wait3A_89 = arith.constant 0 : i32
      %dma_wait3A_90 = tpu.memref_slice %arg4[%run_scoped3A, %dma_wait3A_89] : memref<10240x128xf32, #tpu.memory_space<hbm>> -> memref<1x128xf32, #tpu.memory_space<hbm>>
      %dma_wait3A_91 = tpu.memref_squeeze %dma_wait3A_90 : memref<1x128xf32, #tpu.memory_space<hbm>> -> memref<128xf32, #tpu.memory_space<hbm>>
      tpu.wait_dma2 semaphore(%run_scoped3A_85 : memref<!tpu.dma_semaphore, #tpu.memory_space<semaphore_mem>>) src(%dma_wait3A_91 : memref<128xf32, #tpu.memory_space<hbm>>) dst(%dma_wait3A : memref<128xf32, #tpu.memory_space<vmem_shared>>)
      tpu.yield
    }) : () -> ()
    %add3A_51 = arith.constant 0 : i32
    %add3A_52 = arith.addi %mul3A_48, %add3A_51 : i32
    %run_scoped3A_53 = arith.constant 0 : i32
    "tpu.region"() ({
      %run_scoped3A_85 = tpu.sem_alloc : memref<!tpu.dma_semaphore, #tpu.memory_space<semaphore_mem>>
      %dma_start3A = tpu.memref_slice %arg11[%add3A_52] : memref<10240xf32, #tpu.memory_space<vmem_shared>> -> memref<128xf32, #tpu.memory_space<vmem_shared>>
      %dma_start3A_86 = arith.constant 0 : i32
      %dma_start3A_87 = tpu.memref_slice %arg4[%run_scoped3A_53, %dma_start3A_86] : memref<10240x128xf32, #tpu.memory_space<hbm>> -> memref<1x128xf32, #tpu.memory_space<hbm>>
      %dma_start3A_88 = tpu.memref_squeeze %dma_start3A_87 : memref<1x128xf32, #tpu.memory_space<hbm>> -> memref<128xf32, #tpu.memory_space<hbm>>
      tpu.enqueue_dma source(%dma_start3A_88 : memref<128xf32, #tpu.memory_space<hbm>>) target(%dma_start3A : memref<128xf32, #tpu.memory_space<vmem_shared>>) target_semaphore(%run_scoped3A_85 : memref<!tpu.dma_semaphore, #tpu.memory_space<semaphore_mem>>)
      %dma_wait3A = tpu.memref_slice %arg11[%add3A_52] : memref<10240xf32, #tpu.memory_space<vmem_shared>> -> memref<128xf32, #tpu.memory_space<vmem_shared>>
      %dma_wait3A_89 = arith.constant 0 : i32
      %dma_wait3A_90 = tpu.memref_slice %arg4[%run_scoped3A_53, %dma_wait3A_89] : memref<10240x128xf32, #tpu.memory_space<hbm>> -> memref<1x128xf32, #tpu.memory_space<hbm>>
      %dma_wait3A_91 = tpu.memref_squeeze %dma_wait3A_90 : memref<1x128xf32, #tpu.memory_space<hbm>> -> memref<128xf32, #tpu.memory_space<hbm>>
      tpu.wait_dma2 semaphore(%run_scoped3A_85 : memref<!tpu.dma_semaphore, #tpu.memory_space<semaphore_mem>>) src(%dma_wait3A_91 : memref<128xf32, #tpu.memory_space<hbm>>) dst(%dma_wait3A : memref<128xf32, #tpu.memory_space<vmem_shared>>)
      tpu.yield
    }) : () -> ()
    %add3A_54 = arith.constant 128 : i32
    %add3A_55 = arith.addi %mul3A_48, %add3A_54 : i32
    %run_scoped3A_56 = arith.constant 1 : i32
    "tpu.region"() ({
      %run_scoped3A_85 = tpu.sem_alloc : memref<!tpu.dma_semaphore, #tpu.memory_space<semaphore_mem>>
      %dma_start3A = tpu.memref_slice %arg10[%add3A_55] : memref<10240xf32, #tpu.memory_space<vmem_shared>> -> memref<128xf32, #tpu.memory_space<vmem_shared>>
      %dma_start3A_86 = arith.constant 0 : i32
      %dma_start3A_87 = tpu.memref_slice %arg4[%run_scoped3A_56, %dma_start3A_86] : memref<10240x128xf32, #tpu.memory_space<hbm>> -> memref<1x128xf32, #tpu.memory_space<hbm>>
      %dma_start3A_88 = tpu.memref_squeeze %dma_start3A_87 : memref<1x128xf32, #tpu.memory_space<hbm>> -> memref<128xf32, #tpu.memory_space<hbm>>
      tpu.enqueue_dma source(%dma_start3A_88 : memref<128xf32, #tpu.memory_space<hbm>>) target(%dma_start3A : memref<128xf32, #tpu.memory_space<vmem_shared>>) target_semaphore(%run_scoped3A_85 : memref<!tpu.dma_semaphore, #tpu.memory_space<semaphore_mem>>)
      %dma_wait3A = tpu.memref_slice %arg10[%add3A_55] : memref<10240xf32, #tpu.memory_space<vmem_shared>> -> memref<128xf32, #tpu.memory_space<vmem_shared>>
      %dma_wait3A_89 = arith.constant 0 : i32
      %dma_wait3A_90 = tpu.memref_slice %arg4[%run_scoped3A_56, %dma_wait3A_89] : memref<10240x128xf32, #tpu.memory_space<hbm>> -> memref<1x128xf32, #tpu.memory_space<hbm>>
      %dma_wait3A_91 = tpu.memref_squeeze %dma_wait3A_90 : memref<1x128xf32, #tpu.memory_space<hbm>> -> memref<128xf32, #tpu.memory_space<hbm>>
      tpu.wait_dma2 semaphore(%run_scoped3A_85 : memref<!tpu.dma_semaphore, #tpu.memory_space<semaphore_mem>>) src(%dma_wait3A_91 : memref<128xf32, #tpu.memory_space<hbm>>) dst(%dma_wait3A : memref<128xf32, #tpu.memory_space<vmem_shared>>)
      tpu.yield
    }) : () -> ()
    %add3A_57 = arith.constant 128 : i32
    %add3A_58 = arith.addi %mul3A_48, %add3A_57 : i32
    %run_scoped3A_59 = arith.constant 1 : i32
    "tpu.region"() ({
      %run_scoped3A_85 = tpu.sem_alloc : memref<!tpu.dma_semaphore, #tpu.memory_space<semaphore_mem>>
      %dma_start3A = tpu.memref_slice %arg11[%add3A_58] : memref<10240xf32, #tpu.memory_space<vmem_shared>> -> memref<128xf32, #tpu.memory_space<vmem_shared>>
      %dma_start3A_86 = arith.constant 0 : i32
      %dma_start3A_87 = tpu.memref_slice %arg4[%run_scoped3A_59, %dma_start3A_86] : memref<10240x128xf32, #tpu.memory_space<hbm>> -> memref<1x128xf32, #tpu.memory_space<hbm>>
      %dma_start3A_88 = tpu.memref_squeeze %dma_start3A_87 : memref<1x128xf32, #tpu.memory_space<hbm>> -> memref<128xf32, #tpu.memory_space<hbm>>
      tpu.enqueue_dma source(%dma_start3A_88 : memref<128xf32, #tpu.memory_space<hbm>>) target(%dma_start3A : memref<128xf32, #tpu.memory_space<vmem_shared>>) target_semaphore(%run_scoped3A_85 : memref<!tpu.dma_semaphore, #tpu.memory_space<semaphore_mem>>)
      %dma_wait3A = tpu.memref_slice %arg11[%add3A_58] : memref<10240xf32, #tpu.memory_space<vmem_shared>> -> memref<128xf32, #tpu.memory_space<vmem_shared>>
      %dma_wait3A_89 = arith.constant 0 : i32
      %dma_wait3A_90 = tpu.memref_slice %arg4[%run_scoped3A_59, %dma_wait3A_89] : memref<10240x128xf32, #tpu.memory_space<hbm>> -> memref<1x128xf32, #tpu.memory_space<hbm>>
      %dma_wait3A_91 = tpu.memref_squeeze %dma_wait3A_90 : memref<1x128xf32, #tpu.memory_space<hbm>> -> memref<128xf32, #tpu.memory_space<hbm>>
      tpu.wait_dma2 semaphore(%run_scoped3A_85 : memref<!tpu.dma_semaphore, #tpu.memory_space<semaphore_mem>>) src(%dma_wait3A_91 : memref<128xf32, #tpu.memory_space<hbm>>) dst(%dma_wait3A : memref<128xf32, #tpu.memory_space<vmem_shared>>)
      tpu.yield
    }) : () -> ()
    %add3A_60 = arith.constant 256 : i32
    %add3A_61 = arith.addi %mul3A_48, %add3A_60 : i32
    %run_scoped3A_62 = arith.constant 2 : i32
    "tpu.region"() ({
      %run_scoped3A_85 = tpu.sem_alloc : memref<!tpu.dma_semaphore, #tpu.memory_space<semaphore_mem>>
      %dma_start3A = tpu.memref_slice %arg10[%add3A_61] : memref<10240xf32, #tpu.memory_space<vmem_shared>> -> memref<128xf32, #tpu.memory_space<vmem_shared>>
      %dma_start3A_86 = arith.constant 0 : i32
      %dma_start3A_87 = tpu.memref_slice %arg4[%run_scoped3A_62, %dma_start3A_86] : memref<10240x128xf32, #tpu.memory_space<hbm>> -> memref<1x128xf32, #tpu.memory_space<hbm>>
      %dma_start3A_88 = tpu.memref_squeeze %dma_start3A_87 : memref<1x128xf32, #tpu.memory_space<hbm>> -> memref<128xf32, #tpu.memory_space<hbm>>
      tpu.enqueue_dma source(%dma_start3A_88 : memref<128xf32, #tpu.memory_space<hbm>>) target(%dma_start3A : memref<128xf32, #tpu.memory_space<vmem_shared>>) target_semaphore(%run_scoped3A_85 : memref<!tpu.dma_semaphore, #tpu.memory_space<semaphore_mem>>)
      %dma_wait3A = tpu.memref_slice %arg10[%add3A_61] : memref<10240xf32, #tpu.memory_space<vmem_shared>> -> memref<128xf32, #tpu.memory_space<vmem_shared>>
      %dma_wait3A_89 = arith.constant 0 : i32
      %dma_wait3A_90 = tpu.memref_slice %arg4[%run_scoped3A_62, %dma_wait3A_89] : memref<10240x128xf32, #tpu.memory_space<hbm>> -> memref<1x128xf32, #tpu.memory_space<hbm>>
      %dma_wait3A_91 = tpu.memref_squeeze %dma_wait3A_90 : memref<1x128xf32, #tpu.memory_space<hbm>> -> memref<128xf32, #tpu.memory_space<hbm>>
      tpu.wait_dma2 semaphore(%run_scoped3A_85 : memref<!tpu.dma_semaphore, #tpu.memory_space<semaphore_mem>>) src(%dma_wait3A_91 : memref<128xf32, #tpu.memory_space<hbm>>) dst(%dma_wait3A : memref<128xf32, #tpu.memory_space<vmem_shared>>)
      tpu.yield
    }) : () -> ()
    %add3A_63 = arith.constant 256 : i32
    %add3A_64 = arith.addi %mul3A_48, %add3A_63 : i32
    %run_scoped3A_65 = arith.constant 2 : i32
    "tpu.region"() ({
      %run_scoped3A_85 = tpu.sem_alloc : memref<!tpu.dma_semaphore, #tpu.memory_space<semaphore_mem>>
      %dma_start3A = tpu.memref_slice %arg11[%add3A_64] : memref<10240xf32, #tpu.memory_space<vmem_shared>> -> memref<128xf32, #tpu.memory_space<vmem_shared>>
      %dma_start3A_86 = arith.constant 0 : i32
      %dma_start3A_87 = tpu.memref_slice %arg4[%run_scoped3A_65, %dma_start3A_86] : memref<10240x128xf32, #tpu.memory_space<hbm>> -> memref<1x128xf32, #tpu.memory_space<hbm>>
      %dma_start3A_88 = tpu.memref_squeeze %dma_start3A_87 : memref<1x128xf32, #tpu.memory_space<hbm>> -> memref<128xf32, #tpu.memory_space<hbm>>
      tpu.enqueue_dma source(%dma_start3A_88 : memref<128xf32, #tpu.memory_space<hbm>>) target(%dma_start3A : memref<128xf32, #tpu.memory_space<vmem_shared>>) target_semaphore(%run_scoped3A_85 : memref<!tpu.dma_semaphore, #tpu.memory_space<semaphore_mem>>)
      %dma_wait3A = tpu.memref_slice %arg11[%add3A_64] : memref<10240xf32, #tpu.memory_space<vmem_shared>> -> memref<128xf32, #tpu.memory_space<vmem_shared>>
      %dma_wait3A_89 = arith.constant 0 : i32
      %dma_wait3A_90 = tpu.memref_slice %arg4[%run_scoped3A_65, %dma_wait3A_89] : memref<10240x128xf32, #tpu.memory_space<hbm>> -> memref<1x128xf32, #tpu.memory_space<hbm>>
      %dma_wait3A_91 = tpu.memref_squeeze %dma_wait3A_90 : memref<1x128xf32, #tpu.memory_space<hbm>> -> memref<128xf32, #tpu.memory_space<hbm>>
      tpu.wait_dma2 semaphore(%run_scoped3A_85 : memref<!tpu.dma_semaphore, #tpu.memory_space<semaphore_mem>>) src(%dma_wait3A_91 : memref<128xf32, #tpu.memory_space<hbm>>) dst(%dma_wait3A : memref<128xf32, #tpu.memory_space<vmem_shared>>)
      tpu.yield
    }) : () -> ()
    %add3A_66 = arith.constant 384 : i32
    %add3A_67 = arith.addi %mul3A_48, %add3A_66 : i32
    %run_scoped3A_68 = arith.constant 3 : i32
    "tpu.region"() ({
      %run_scoped3A_85 = tpu.sem_alloc : memref<!tpu.dma_semaphore, #tpu.memory_space<semaphore_mem>>
      %dma_start3A = tpu.memref_slice %arg10[%add3A_67] : memref<10240xf32, #tpu.memory_space<vmem_shared>> -> memref<128xf32, #tpu.memory_space<vmem_shared>>
      %dma_start3A_86 = arith.constant 0 : i32
      %dma_start3A_87 = tpu.memref_slice %arg4[%run_scoped3A_68, %dma_start3A_86] : memref<10240x128xf32, #tpu.memory_space<hbm>> -> memref<1x128xf32, #tpu.memory_space<hbm>>
      %dma_start3A_88 = tpu.memref_squeeze %dma_start3A_87 : memref<1x128xf32, #tpu.memory_space<hbm>> -> memref<128xf32, #tpu.memory_space<hbm>>
      tpu.enqueue_dma source(%dma_start3A_88 : memref<128xf32, #tpu.memory_space<hbm>>) target(%dma_start3A : memref<128xf32, #tpu.memory_space<vmem_shared>>) target_semaphore(%run_scoped3A_85 : memref<!tpu.dma_semaphore, #tpu.memory_space<semaphore_mem>>)
      %dma_wait3A = tpu.memref_slice %arg10[%add3A_67] : memref<10240xf32, #tpu.memory_space<vmem_shared>> -> memref<128xf32, #tpu.memory_space<vmem_shared>>
      %dma_wait3A_89 = arith.constant 0 : i32
      %dma_wait3A_90 = tpu.memref_slice %arg4[%run_scoped3A_68, %dma_wait3A_89] : memref<10240x128xf32, #tpu.memory_space<hbm>> -> memref<1x128xf32, #tpu.memory_space<hbm>>
      %dma_wait3A_91 = tpu.memref_squeeze %dma_wait3A_90 : memref<1x128xf32, #tpu.memory_space<hbm>> -> memref<128xf32, #tpu.memory_space<hbm>>
      tpu.wait_dma2 semaphore(%run_scoped3A_85 : memref<!tpu.dma_semaphore, #tpu.memory_space<semaphore_mem>>) src(%dma_wait3A_91 : memref<128xf32, #tpu.memory_space<hbm>>) dst(%dma_wait3A : memref<128xf32, #tpu.memory_space<vmem_shared>>)
      tpu.yield
    }) : () -> ()
    %add3A_69 = arith.constant 384 : i32
    %add3A_70 = arith.addi %mul3A_48, %add3A_69 : i32
    %run_scoped3A_71 = arith.constant 3 : i32
    "tpu.region"() ({
      %run_scoped3A_85 = tpu.sem_alloc : memref<!tpu.dma_semaphore, #tpu.memory_space<semaphore_mem>>
      %dma_start3A = tpu.memref_slice %arg11[%add3A_70] : memref<10240xf32, #tpu.memory_space<vmem_shared>> -> memref<128xf32, #tpu.memory_space<vmem_shared>>
      %dma_start3A_86 = arith.constant 0 : i32
      %dma_start3A_87 = tpu.memref_slice %arg4[%run_scoped3A_71, %dma_start3A_86] : memref<10240x128xf32, #tpu.memory_space<hbm>> -> memref<1x128xf32, #tpu.memory_space<hbm>>
      %dma_start3A_88 = tpu.memref_squeeze %dma_start3A_87 : memref<1x128xf32, #tpu.memory_space<hbm>> -> memref<128xf32, #tpu.memory_space<hbm>>
      tpu.enqueue_dma source(%dma_start3A_88 : memref<128xf32, #tpu.memory_space<hbm>>) target(%dma_start3A : memref<128xf32, #tpu.memory_space<vmem_shared>>) target_semaphore(%run_scoped3A_85 : memref<!tpu.dma_semaphore, #tpu.memory_space<semaphore_mem>>)
      %dma_wait3A = tpu.memref_slice %arg11[%add3A_70] : memref<10240xf32, #tpu.memory_space<vmem_shared>> -> memref<128xf32, #tpu.memory_space<vmem_shared>>
      %dma_wait3A_89 = arith.constant 0 : i32
      %dma_wait3A_90 = tpu.memref_slice %arg4[%run_scoped3A_71, %dma_wait3A_89] : memref<10240x128xf32, #tpu.memory_space<hbm>> -> memref<1x128xf32, #tpu.memory_space<hbm>>
      %dma_wait3A_91 = tpu.memref_squeeze %dma_wait3A_90 : memref<1x128xf32, #tpu.memory_space<hbm>> -> memref<128xf32, #tpu.memory_space<hbm>>
      tpu.wait_dma2 semaphore(%run_scoped3A_85 : memref<!tpu.dma_semaphore, #tpu.memory_space<semaphore_mem>>) src(%dma_wait3A_91 : memref<128xf32, #tpu.memory_space<hbm>>) dst(%dma_wait3A : memref<128xf32, #tpu.memory_space<vmem_shared>>)
      tpu.yield
    }) : () -> ()
    %add3A_72 = arith.constant 512 : i32
    %add3A_73 = arith.addi %mul3A_48, %add3A_72 : i32
    %run_scoped3A_74 = arith.constant 4 : i32
    "tpu.region"() ({
      %run_scoped3A_85 = tpu.sem_alloc : memref<!tpu.dma_semaphore, #tpu.memory_space<semaphore_mem>>
      %dma_start3A = tpu.memref_slice %arg10[%add3A_73] : memref<10240xf32, #tpu.memory_space<vmem_shared>> -> memref<128xf32, #tpu.memory_space<vmem_shared>>
      %dma_start3A_86 = arith.constant 0 : i32
      %dma_start3A_87 = tpu.memref_slice %arg4[%run_scoped3A_74, %dma_start3A_86] : memref<10240x128xf32, #tpu.memory_space<hbm>> -> memref<1x128xf32, #tpu.memory_space<hbm>>
      %dma_start3A_88 = tpu.memref_squeeze %dma_start3A_87 : memref<1x128xf32, #tpu.memory_space<hbm>> -> memref<128xf32, #tpu.memory_space<hbm>>
      tpu.enqueue_dma source(%dma_start3A_88 : memref<128xf32, #tpu.memory_space<hbm>>) target(%dma_start3A : memref<128xf32, #tpu.memory_space<vmem_shared>>) target_semaphore(%run_scoped3A_85 : memref<!tpu.dma_semaphore, #tpu.memory_space<semaphore_mem>>)
      %dma_wait3A = tpu.memref_slice %arg10[%add3A_73] : memref<10240xf32, #tpu.memory_space<vmem_shared>> -> memref<128xf32, #tpu.memory_space<vmem_shared>>
      %dma_wait3A_89 = arith.constant 0 : i32
      %dma_wait3A_90 = tpu.memref_slice %arg4[%run_scoped3A_74, %dma_wait3A_89] : memref<10240x128xf32, #tpu.memory_space<hbm>> -> memref<1x128xf32, #tpu.memory_space<hbm>>
      %dma_wait3A_91 = tpu.memref_squeeze %dma_wait3A_90 : memref<1x128xf32, #tpu.memory_space<hbm>> -> memref<128xf32, #tpu.memory_space<hbm>>
      tpu.wait_dma2 semaphore(%run_scoped3A_85 : memref<!tpu.dma_semaphore, #tpu.memory_space<semaphore_mem>>) src(%dma_wait3A_91 : memref<128xf32, #tpu.memory_space<hbm>>) dst(%dma_wait3A : memref<128xf32, #tpu.memory_space<vmem_shared>>)
      tpu.yield
    }) : () -> ()
    %add3A_75 = arith.constant 512 : i32
    %add3A_76 = arith.addi %mul3A_48, %add3A_75 : i32
    %run_scoped3A_77 = arith.constant 4 : i32
    "tpu.region"() ({
      %run_scoped3A_85 = tpu.sem_alloc : memref<!tpu.dma_semaphore, #tpu.memory_space<semaphore_mem>>
      %dma_start3A = tpu.memref_slice %arg11[%add3A_76] : memref<10240xf32, #tpu.memory_space<vmem_shared>> -> memref<128xf32, #tpu.memory_space<vmem_shared>>
      %dma_start3A_86 = arith.constant 0 : i32
      %dma_start3A_87 = tpu.memref_slice %arg4[%run_scoped3A_77, %dma_start3A_86] : memref<10240x128xf32, #tpu.memory_space<hbm>> -> memref<1x128xf32, #tpu.memory_space<hbm>>
      %dma_start3A_88 = tpu.memref_squeeze %dma_start3A_87 : memref<1x128xf32, #tpu.memory_space<hbm>> -> memref<128xf32, #tpu.memory_space<hbm>>
      tpu.enqueue_dma source(%dma_start3A_88 : memref<128xf32, #tpu.memory_space<hbm>>) target(%dma_start3A : memref<128xf32, #tpu.memory_space<vmem_shared>>) target_semaphore(%run_scoped3A_85 : memref<!tpu.dma_semaphore, #tpu.memory_space<semaphore_mem>>)
      %dma_wait3A = tpu.memref_slice %arg11[%add3A_76] : memref<10240xf32, #tpu.memory_space<vmem_shared>> -> memref<128xf32, #tpu.memory_space<vmem_shared>>
      %dma_wait3A_89 = arith.constant 0 : i32
      %dma_wait3A_90 = tpu.memref_slice %arg4[%run_scoped3A_77, %dma_wait3A_89] : memref<10240x128xf32, #tpu.memory_space<hbm>> -> memref<1x128xf32, #tpu.memory_space<hbm>>
      %dma_wait3A_91 = tpu.memref_squeeze %dma_wait3A_90 : memref<1x128xf32, #tpu.memory_space<hbm>> -> memref<128xf32, #tpu.memory_space<hbm>>
      tpu.wait_dma2 semaphore(%run_scoped3A_85 : memref<!tpu.dma_semaphore, #tpu.memory_space<semaphore_mem>>) src(%dma_wait3A_91 : memref<128xf32, #tpu.memory_space<hbm>>) dst(%dma_wait3A : memref<128xf32, #tpu.memory_space<vmem_shared>>)
      tpu.yield
    }) : () -> ()
    %barrier3A = arith.constant 0 : index
    tpu.barrier barrier_id(%barrier3A)
    %scan3A = arith.constant 0 : i32
    %scan3A_78 = arith.constant 0 : i32
    %scan3A_79 = arith.constant 79 : i32
    %scan3A_80 = arith.addi %scan3A_78, %scan3A_79 : i32
    %scan3A_81 = arith.constant 1 : i32
    %scan3A_82 = scf.for %scan3A_85 = %scan3A_78 to %scan3A_80 step %scan3A_81 iter_args(%scan3A_86 = %scan3A) -> (i32)  : i32 {
      "tpu.region"() ({
        %run_scoped3A_88 = tpu.sem_alloc : memref<!tpu.dma_semaphore, #tpu.memory_space<semaphore_mem>>
        %dma_start3A = arith.constant 0 : i32
        %dma_start3A_89 = tpu.memref_slice %arg2[%add3A, %scan3A_85, %dma_start3A] : memref<32x79x128xi32, #tpu.memory_space<hbm>> -> memref<1x1x128xi32, #tpu.memory_space<hbm>>
        %dma_start3A_90 = tpu.memref_squeeze %dma_start3A_89 : memref<1x1x128xi32, #tpu.memory_space<hbm>> -> memref<128xi32, #tpu.memory_space<hbm>>
        %dma_start3A_91 = arith.constant 0 : i32
        %dma_start3A_92 = tpu.memref_slice %arg2[%add3A, %scan3A_85, %dma_start3A_91] : memref<32x79x128xi32, #tpu.memory_space<hbm>> -> memref<1x1x128xi32, #tpu.memory_space<hbm>>
        %dma_start3A_93 = tpu.memref_squeeze %dma_start3A_92 : memref<1x1x128xi32, #tpu.memory_space<hbm>> -> memref<128xi32, #tpu.memory_space<hbm>>
        tpu.enqueue_dma source(%dma_start3A_93 : memref<128xi32, #tpu.memory_space<hbm>>) target(%arg7 : memref<128xi32, #tpu.memory_space<vmem>>) target_semaphore(%run_scoped3A_88 : memref<!tpu.dma_semaphore, #tpu.memory_space<semaphore_mem>>)
        %dma_wait3A = arith.constant 0 : i32
        %dma_wait3A_94 = tpu.memref_slice %arg2[%add3A, %scan3A_85, %dma_wait3A] : memref<32x79x128xi32, #tpu.memory_space<hbm>> -> memref<1x1x128xi32, #tpu.memory_space<hbm>>
        %dma_wait3A_95 = tpu.memref_squeeze %dma_wait3A_94 : memref<1x1x128xi32, #tpu.memory_space<hbm>> -> memref<128xi32, #tpu.memory_space<hbm>>
        %dma_wait3A_96 = arith.constant 0 : i32
        %dma_wait3A_97 = tpu.memref_slice %arg2[%add3A, %scan3A_85, %dma_wait3A_96] : memref<32x79x128xi32, #tpu.memory_space<hbm>> -> memref<1x1x128xi32, #tpu.memory_space<hbm>>
        %dma_wait3A_98 = tpu.memref_squeeze %dma_wait3A_97 : memref<1x1x128xi32, #tpu.memory_space<hbm>> -> memref<128xi32, #tpu.memory_space<hbm>>
        tpu.wait_dma2 semaphore(%run_scoped3A_88 : memref<!tpu.dma_semaphore, #tpu.memory_space<semaphore_mem>>) src(%dma_wait3A_98 : memref<128xi32, #tpu.memory_space<hbm>>) dst(%arg7 : memref<128xi32, #tpu.memory_space<vmem>>)
        tpu.yield
      }) : () -> ()
      "tpu.region"() ({
        %run_scoped3A_88 = tpu.sem_alloc : memref<!tpu.dma_semaphore, #tpu.memory_space<semaphore_mem>>
        %dma_start3A = arith.constant 0 : i32
        %dma_start3A_89 = tpu.memref_slice %arg3[%add3A, %scan3A_85, %dma_start3A] : memref<32x79x128xi32, #tpu.memory_space<hbm>> -> memref<1x1x128xi32, #tpu.memory_space<hbm>>
        %dma_start3A_90 = tpu.memref_squeeze %dma_start3A_89 : memref<1x1x128xi32, #tpu.memory_space<hbm>> -> memref<128xi32, #tpu.memory_space<hbm>>
        %dma_start3A_91 = arith.constant 0 : i32
        %dma_start3A_92 = tpu.memref_slice %arg3[%add3A, %scan3A_85, %dma_start3A_91] : memref<32x79x128xi32, #tpu.memory_space<hbm>> -> memref<1x1x128xi32, #tpu.memory_space<hbm>>
        %dma_start3A_93 = tpu.memref_squeeze %dma_start3A_92 : memref<1x1x128xi32, #tpu.memory_space<hbm>> -> memref<128xi32, #tpu.memory_space<hbm>>
        tpu.enqueue_dma source(%dma_start3A_93 : memref<128xi32, #tpu.memory_space<hbm>>) target(%arg8 : memref<128xi32, #tpu.memory_space<vmem>>) target_semaphore(%run_scoped3A_88 : memref<!tpu.dma_semaphore, #tpu.memory_space<semaphore_mem>>)
        %dma_wait3A = arith.constant 0 : i32
        %dma_wait3A_94 = tpu.memref_slice %arg3[%add3A, %scan3A_85, %dma_wait3A] : memref<32x79x128xi32, #tpu.memory_space<hbm>> -> memref<1x1x128xi32, #tpu.memory_space<hbm>>
        %dma_wait3A_95 = tpu.memref_squeeze %dma_wait3A_94 : memref<1x1x128xi32, #tpu.memory_space<hbm>> -> memref<128xi32, #tpu.memory_space<hbm>>
        %dma_wait3A_96 = arith.constant 0 : i32
        %dma_wait3A_97 = tpu.memref_slice %arg3[%add3A, %scan3A_85, %dma_wait3A_96] : memref<32x79x128xi32, #tpu.memory_space<hbm>> -> memref<1x1x128xi32, #tpu.memory_space<hbm>>
        %dma_wait3A_98 = tpu.memref_squeeze %dma_wait3A_97 : memref<1x1x128xi32, #tpu.memory_space<hbm>> -> memref<128xi32, #tpu.memory_space<hbm>>
        tpu.wait_dma2 semaphore(%run_scoped3A_88 : memref<!tpu.dma_semaphore, #tpu.memory_space<semaphore_mem>>) src(%dma_wait3A_98 : memref<128xi32, #tpu.memory_space<hbm>>) dst(%arg8 : memref<128xi32, #tpu.memory_space<vmem>>)
        tpu.yield
      }) : () -> ()
      "tpu.region"() ({
        %run_scoped3A_88 = tpu.sem_alloc : memref<!tpu.dma_semaphore, #tpu.memory_space<semaphore_mem>>
        %dma_start3A = arith.constant 0 : i32
        %dma_start3A_89 = tpu.memref_slice %arg10[%dma_start3A] : memref<10240xf32, #tpu.memory_space<vmem_shared>> -> memref<10240xf32, #tpu.memory_space<vmem_shared>>
        tpu.enqueue_indirect_dma source(%arg9 : memref<128xf32, #tpu.memory_space<vmem>>) target(%dma_start3A_89 : memref<10240xf32, #tpu.memory_space<vmem_shared>>) offsets(%arg7 : memref<128xi32, #tpu.memory_space<vmem>>) semaphore(%run_scoped3A_88 : memref<!tpu.dma_semaphore, #tpu.memory_space<semaphore_mem>>) {add = true}
        %dma_wait3A = arith.constant 0 : i32
        %dma_wait3A_90 = tpu.memref_slice %arg10[%dma_wait3A] : memref<10240xf32, #tpu.memory_space<vmem_shared>> -> memref<10240xf32, #tpu.memory_space<vmem_shared>>
        tpu.wait_indirect_dma semaphore(%run_scoped3A_88 : memref<!tpu.dma_semaphore, #tpu.memory_space<semaphore_mem>>) src(%arg9 : memref<128xf32, #tpu.memory_space<vmem>>) dst(%dma_wait3A_90 : memref<10240xf32, #tpu.memory_space<vmem_shared>>)
        tpu.yield
      }) : () -> ()
      "tpu.region"() ({
        %run_scoped3A_88 = tpu.sem_alloc : memref<!tpu.dma_semaphore, #tpu.memory_space<semaphore_mem>>
        %dma_start3A = arith.constant 0 : i32
        %dma_start3A_89 = tpu.memref_slice %arg11[%dma_start3A] : memref<10240xf32, #tpu.memory_space<vmem_shared>> -> memref<10240xf32, #tpu.memory_space<vmem_shared>>
        tpu.enqueue_indirect_dma source(%arg9 : memref<128xf32, #tpu.memory_space<vmem>>) target(%dma_start3A_89 : memref<10240xf32, #tpu.memory_space<vmem_shared>>) offsets(%arg8 : memref<128xi32, #tpu.memory_space<vmem>>) semaphore(%run_scoped3A_88 : memref<!tpu.dma_semaphore, #tpu.memory_space<semaphore_mem>>) {add = true}
        %dma_wait3A = arith.constant 0 : i32
        %dma_wait3A_90 = tpu.memref_slice %arg11[%dma_wait3A] : memref<10240xf32, #tpu.memory_space<vmem_shared>> -> memref<10240xf32, #tpu.memory_space<vmem_shared>>
        tpu.wait_indirect_dma semaphore(%run_scoped3A_88 : memref<!tpu.dma_semaphore, #tpu.memory_space<semaphore_mem>>) src(%arg9 : memref<128xf32, #tpu.memory_space<vmem>>) dst(%dma_wait3A_90 : memref<10240xf32, #tpu.memory_space<vmem_shared>>)
        tpu.yield
      }) : () -> ()
      %scan3A_87 = arith.constant 0 : i32
      scf.yield %scan3A_87 : i32
    }
    %scan3A_83 = arith.constant 79 : i32
    %barrier3A_84 = arith.constant 0 : index
    tpu.barrier barrier_id(%barrier3A_84)
    "tpu.region"() ({
      %run_scoped3A_85 = tpu.sem_alloc : memref<!tpu.dma_semaphore, #tpu.memory_space<semaphore_mem>>
      %dma_start3A = tpu.memref_slice %arg5[%arg0, %mul3A_48] : memref<2x10240xf32, #tpu.memory_space<hbm>> -> memref<1x640xf32, #tpu.memory_space<hbm>>
      %dma_start3A_86 = tpu.memref_squeeze %dma_start3A : memref<1x640xf32, #tpu.memory_space<hbm>> -> memref<640xf32, #tpu.memory_space<hbm>>
      %dma_start3A_87 = tpu.memref_slice %arg10[%mul3A_48] : memref<10240xf32, #tpu.memory_space<vmem_shared>> -> memref<640xf32, #tpu.memory_space<vmem_shared>>
      tpu.enqueue_dma source(%dma_start3A_87 : memref<640xf32, #tpu.memory_space<vmem_shared>>) target(%dma_start3A_86 : memref<640xf32, #tpu.memory_space<hbm>>) target_semaphore(%run_scoped3A_85 : memref<!tpu.dma_semaphore, #tpu.memory_space<semaphore_mem>>)
      %dma_wait3A = tpu.memref_slice %arg5[%arg0, %mul3A_48] : memref<2x10240xf32, #tpu.memory_space<hbm>> -> memref<1x640xf32, #tpu.memory_space<hbm>>
      %dma_wait3A_88 = tpu.memref_squeeze %dma_wait3A : memref<1x640xf32, #tpu.memory_space<hbm>> -> memref<640xf32, #tpu.memory_space<hbm>>
      %dma_wait3A_89 = tpu.memref_slice %arg10[%mul3A_48] : memref<10240xf32, #tpu.memory_space<vmem_shared>> -> memref<640xf32, #tpu.memory_space<vmem_shared>>
      tpu.wait_dma2 semaphore(%run_scoped3A_85 : memref<!tpu.dma_semaphore, #tpu.memory_space<semaphore_mem>>) src(%dma_wait3A_89 : memref<640xf32, #tpu.memory_space<vmem_shared>>) dst(%dma_wait3A_88 : memref<640xf32, #tpu.memory_space<hbm>>)
      tpu.yield
    }) : () -> ()
    "tpu.region"() ({
      %run_scoped3A_85 = tpu.sem_alloc : memref<!tpu.dma_semaphore, #tpu.memory_space<semaphore_mem>>
      %dma_start3A = tpu.memref_slice %arg6[%arg0, %mul3A_48] : memref<2x10240xf32, #tpu.memory_space<hbm>> -> memref<1x640xf32, #tpu.memory_space<hbm>>
      %dma_start3A_86 = tpu.memref_squeeze %dma_start3A : memref<1x640xf32, #tpu.memory_space<hbm>> -> memref<640xf32, #tpu.memory_space<hbm>>
      %dma_start3A_87 = tpu.memref_slice %arg11[%mul3A_48] : memref<10240xf32, #tpu.memory_space<vmem_shared>> -> memref<640xf32, #tpu.memory_space<vmem_shared>>
      tpu.enqueue_dma source(%dma_start3A_87 : memref<640xf32, #tpu.memory_space<vmem_shared>>) target(%dma_start3A_86 : memref<640xf32, #tpu.memory_space<hbm>>) target_semaphore(%run_scoped3A_85 : memref<!tpu.dma_semaphore, #tpu.memory_space<semaphore_mem>>)
      %dma_wait3A = tpu.memref_slice %arg6[%arg0, %mul3A_48] : memref<2x10240xf32, #tpu.memory_space<hbm>> -> memref<1x640xf32, #tpu.memory_space<hbm>>
      %dma_wait3A_88 = tpu.memref_squeeze %dma_wait3A : memref<1x640xf32, #tpu.memory_space<hbm>> -> memref<640xf32, #tpu.memory_space<hbm>>
      %dma_wait3A_89 = tpu.memref_slice %arg11[%mul3A_48] : memref<10240xf32, #tpu.memory_space<vmem_shared>> -> memref<640xf32, #tpu.memory_space<vmem_shared>>
      tpu.wait_dma2 semaphore(%run_scoped3A_85 : memref<!tpu.dma_semaphore, #tpu.memory_space<semaphore_mem>>) src(%dma_wait3A_89 : memref<640xf32, #tpu.memory_space<vmem_shared>>) dst(%dma_wait3A_88 : memref<640xf32, #tpu.memory_space<hbm>>)
      tpu.yield
    }) : () -> ()
    return
  }
}

#map = affine_map<(d0, d1) -> (0, 0)>
#map1 = affine_map<(d0, d1) -> (0, 0, 0)>
module attributes {stable_mosaic.version = 14 : i64} {
  func.func @_sc_aggregate(%arg0: i32, %arg1: i32, %arg2: memref<10240x128xf32, #tpu.memory_space<hbm>>, %arg3: memref<32x79x128xi32, #tpu.memory_space<hbm>>, %arg4: memref<32x79x128xi32, #tpu.memory_space<hbm>>, %arg5: memref<10240x128xf32, #tpu.memory_space<hbm>>, %arg6: memref<2x10240x128xf32, #tpu.memory_space<hbm>>, %arg7: memref<128xi32, #tpu.memory_space<vmem>>, %arg8: memref<128xi32, #tpu.memory_space<vmem>>, %arg9: memref<128x128xf32, #tpu.memory_space<vmem>>, %arg10: memref<10240x128xf32, #tpu.memory_space<vmem_shared>>, %arg11: memref<!tpu.dma_semaphore, #tpu.memory_space<semaphore_mem>>) attributes {dimension_semantics = [#tpu.dimension_semantics<core_parallel>, #tpu.dimension_semantics<subcore_parallel>], iteration_bounds = array<i64: 2, 16>, scalar_prefetch = 0 : i64, scratch_operands = 5 : i64, tpu.core_type = #tpu.core_type<sc_vector_subcore>, window_params = [{transform_indices = #map}, {transform_indices = #map1}, {transform_indices = #map1}, {transform_indices = #map}, {transform_indices = #map1}]} {
    %mul3A = arith.constant 16 : i32
    %mul3A_0 = arith.muli %arg0, %mul3A : i32
    %add3A = arith.addi %mul3A_0, %arg1 : i32
    %mul3A_1 = arith.constant 640 : i32
    %mul3A_2 = arith.muli %arg1, %mul3A_1 : i32
    "tpu.region"() ({
      %run_scoped3A = tpu.sem_alloc : memref<!tpu.dma_semaphore, #tpu.memory_space<semaphore_mem>>
      %dma_start3A = arith.constant 0 : i32
      %dma_start3A_10 = tpu.memref_slice %arg10[%mul3A_2, %dma_start3A] : memref<10240x128xf32, #tpu.memory_space<vmem_shared>> -> memref<640x128xf32, #tpu.memory_space<vmem_shared>>
      %dma_start3A_11 = arith.constant 0 : i32
      %dma_start3A_12 = tpu.memref_slice %arg5[%mul3A_2, %dma_start3A_11] : memref<10240x128xf32, #tpu.memory_space<hbm>> -> memref<640x128xf32, #tpu.memory_space<hbm>>
      tpu.enqueue_dma source(%dma_start3A_12 : memref<640x128xf32, #tpu.memory_space<hbm>>) target(%dma_start3A_10 : memref<640x128xf32, #tpu.memory_space<vmem_shared>>) target_semaphore(%run_scoped3A : memref<!tpu.dma_semaphore, #tpu.memory_space<semaphore_mem>>)
      %dma_wait3A = arith.constant 0 : i32
      %dma_wait3A_13 = tpu.memref_slice %arg10[%mul3A_2, %dma_wait3A] : memref<10240x128xf32, #tpu.memory_space<vmem_shared>> -> memref<640x128xf32, #tpu.memory_space<vmem_shared>>
      %dma_wait3A_14 = arith.constant 0 : i32
      %dma_wait3A_15 = tpu.memref_slice %arg5[%mul3A_2, %dma_wait3A_14] : memref<10240x128xf32, #tpu.memory_space<hbm>> -> memref<640x128xf32, #tpu.memory_space<hbm>>
      tpu.wait_dma2 semaphore(%run_scoped3A : memref<!tpu.dma_semaphore, #tpu.memory_space<semaphore_mem>>) src(%dma_wait3A_15 : memref<640x128xf32, #tpu.memory_space<hbm>>) dst(%dma_wait3A_13 : memref<640x128xf32, #tpu.memory_space<vmem_shared>>)
      tpu.yield
    }) : () -> ()
    %barrier3A = arith.constant 0 : index
    tpu.barrier barrier_id(%barrier3A)
    %scan3A = arith.constant 0 : i32
    %scan3A_3 = arith.constant 0 : i32
    %scan3A_4 = arith.constant 79 : i32
    %scan3A_5 = arith.addi %scan3A_3, %scan3A_4 : i32
    %scan3A_6 = arith.constant 1 : i32
    %scan3A_7 = scf.for %scan3A_10 = %scan3A_3 to %scan3A_5 step %scan3A_6 iter_args(%scan3A_11 = %scan3A) -> (i32)  : i32 {
      "tpu.region"() ({
        %run_scoped3A = tpu.sem_alloc : memref<!tpu.dma_semaphore, #tpu.memory_space<semaphore_mem>>
        %dma_start3A_17 = arith.constant 0 : i32
        %dma_start3A_18 = tpu.memref_slice %arg3[%add3A, %scan3A_10, %dma_start3A_17] : memref<32x79x128xi32, #tpu.memory_space<hbm>> -> memref<1x1x128xi32, #tpu.memory_space<hbm>>
        %dma_start3A_19 = tpu.memref_squeeze %dma_start3A_18 : memref<1x1x128xi32, #tpu.memory_space<hbm>> -> memref<128xi32, #tpu.memory_space<hbm>>
        %dma_start3A_20 = arith.constant 0 : i32
        %dma_start3A_21 = tpu.memref_slice %arg3[%add3A, %scan3A_10, %dma_start3A_20] : memref<32x79x128xi32, #tpu.memory_space<hbm>> -> memref<1x1x128xi32, #tpu.memory_space<hbm>>
        %dma_start3A_22 = tpu.memref_squeeze %dma_start3A_21 : memref<1x1x128xi32, #tpu.memory_space<hbm>> -> memref<128xi32, #tpu.memory_space<hbm>>
        tpu.enqueue_dma source(%dma_start3A_22 : memref<128xi32, #tpu.memory_space<hbm>>) target(%arg7 : memref<128xi32, #tpu.memory_space<vmem>>) target_semaphore(%run_scoped3A : memref<!tpu.dma_semaphore, #tpu.memory_space<semaphore_mem>>)
        %dma_wait3A_23 = arith.constant 0 : i32
        %dma_wait3A_24 = tpu.memref_slice %arg3[%add3A, %scan3A_10, %dma_wait3A_23] : memref<32x79x128xi32, #tpu.memory_space<hbm>> -> memref<1x1x128xi32, #tpu.memory_space<hbm>>
        %dma_wait3A_25 = tpu.memref_squeeze %dma_wait3A_24 : memref<1x1x128xi32, #tpu.memory_space<hbm>> -> memref<128xi32, #tpu.memory_space<hbm>>
        %dma_wait3A_26 = arith.constant 0 : i32
        %dma_wait3A_27 = tpu.memref_slice %arg3[%add3A, %scan3A_10, %dma_wait3A_26] : memref<32x79x128xi32, #tpu.memory_space<hbm>> -> memref<1x1x128xi32, #tpu.memory_space<hbm>>
        %dma_wait3A_28 = tpu.memref_squeeze %dma_wait3A_27 : memref<1x1x128xi32, #tpu.memory_space<hbm>> -> memref<128xi32, #tpu.memory_space<hbm>>
        tpu.wait_dma2 semaphore(%run_scoped3A : memref<!tpu.dma_semaphore, #tpu.memory_space<semaphore_mem>>) src(%dma_wait3A_28 : memref<128xi32, #tpu.memory_space<hbm>>) dst(%arg7 : memref<128xi32, #tpu.memory_space<vmem>>)
        tpu.yield
      }) : () -> ()
      %dma_start3A = arith.constant 0 : i32
      %dma_start3A_12 = arith.constant 0 : i32
      %dma_start3A_13 = tpu.memref_slice %arg2[%dma_start3A, %dma_start3A_12] : memref<10240x128xf32, #tpu.memory_space<hbm>> -> memref<10240x128xf32, #tpu.memory_space<hbm>>
      tpu.enqueue_indirect_dma source(%dma_start3A_13 : memref<10240x128xf32, #tpu.memory_space<hbm>>) target(%arg9 : memref<128x128xf32, #tpu.memory_space<vmem>>) offsets(%arg7 : memref<128xi32, #tpu.memory_space<vmem>>) semaphore(%arg11 : memref<!tpu.dma_semaphore, #tpu.memory_space<semaphore_mem>>)
      %dma_wait3A = arith.constant 0 : i32
      %dma_wait3A_14 = arith.constant 0 : i32
      %dma_wait3A_15 = tpu.memref_slice %arg2[%dma_wait3A, %dma_wait3A_14] : memref<10240x128xf32, #tpu.memory_space<hbm>> -> memref<10240x128xf32, #tpu.memory_space<hbm>>
      tpu.wait_indirect_dma semaphore(%arg11 : memref<!tpu.dma_semaphore, #tpu.memory_space<semaphore_mem>>) src(%dma_wait3A_15 : memref<10240x128xf32, #tpu.memory_space<hbm>>) dst(%arg9 : memref<128x128xf32, #tpu.memory_space<vmem>>)
      "tpu.region"() ({
        %run_scoped3A = tpu.sem_alloc : memref<!tpu.dma_semaphore, #tpu.memory_space<semaphore_mem>>
        %dma_start3A_17 = arith.constant 0 : i32
        %dma_start3A_18 = tpu.memref_slice %arg4[%add3A, %scan3A_10, %dma_start3A_17] : memref<32x79x128xi32, #tpu.memory_space<hbm>> -> memref<1x1x128xi32, #tpu.memory_space<hbm>>
        %dma_start3A_19 = tpu.memref_squeeze %dma_start3A_18 : memref<1x1x128xi32, #tpu.memory_space<hbm>> -> memref<128xi32, #tpu.memory_space<hbm>>
        %dma_start3A_20 = arith.constant 0 : i32
        %dma_start3A_21 = tpu.memref_slice %arg4[%add3A, %scan3A_10, %dma_start3A_20] : memref<32x79x128xi32, #tpu.memory_space<hbm>> -> memref<1x1x128xi32, #tpu.memory_space<hbm>>
        %dma_start3A_22 = tpu.memref_squeeze %dma_start3A_21 : memref<1x1x128xi32, #tpu.memory_space<hbm>> -> memref<128xi32, #tpu.memory_space<hbm>>
        tpu.enqueue_dma source(%dma_start3A_22 : memref<128xi32, #tpu.memory_space<hbm>>) target(%arg8 : memref<128xi32, #tpu.memory_space<vmem>>) target_semaphore(%run_scoped3A : memref<!tpu.dma_semaphore, #tpu.memory_space<semaphore_mem>>)
        %dma_wait3A_23 = arith.constant 0 : i32
        %dma_wait3A_24 = tpu.memref_slice %arg4[%add3A, %scan3A_10, %dma_wait3A_23] : memref<32x79x128xi32, #tpu.memory_space<hbm>> -> memref<1x1x128xi32, #tpu.memory_space<hbm>>
        %dma_wait3A_25 = tpu.memref_squeeze %dma_wait3A_24 : memref<1x1x128xi32, #tpu.memory_space<hbm>> -> memref<128xi32, #tpu.memory_space<hbm>>
        %dma_wait3A_26 = arith.constant 0 : i32
        %dma_wait3A_27 = tpu.memref_slice %arg4[%add3A, %scan3A_10, %dma_wait3A_26] : memref<32x79x128xi32, #tpu.memory_space<hbm>> -> memref<1x1x128xi32, #tpu.memory_space<hbm>>
        %dma_wait3A_28 = tpu.memref_squeeze %dma_wait3A_27 : memref<1x1x128xi32, #tpu.memory_space<hbm>> -> memref<128xi32, #tpu.memory_space<hbm>>
        tpu.wait_dma2 semaphore(%run_scoped3A : memref<!tpu.dma_semaphore, #tpu.memory_space<semaphore_mem>>) src(%dma_wait3A_28 : memref<128xi32, #tpu.memory_space<hbm>>) dst(%arg8 : memref<128xi32, #tpu.memory_space<vmem>>)
        tpu.yield
      }) : () -> ()
      "tpu.region"() ({
        %run_scoped3A = tpu.sem_alloc : memref<!tpu.dma_semaphore, #tpu.memory_space<semaphore_mem>>
        %dma_start3A_17 = arith.constant 0 : i32
        %dma_start3A_18 = arith.constant 0 : i32
        %dma_start3A_19 = tpu.memref_slice %arg10[%dma_start3A_17, %dma_start3A_18] : memref<10240x128xf32, #tpu.memory_space<vmem_shared>> -> memref<10240x128xf32, #tpu.memory_space<vmem_shared>>
        tpu.enqueue_indirect_dma source(%arg9 : memref<128x128xf32, #tpu.memory_space<vmem>>) target(%dma_start3A_19 : memref<10240x128xf32, #tpu.memory_space<vmem_shared>>) offsets(%arg8 : memref<128xi32, #tpu.memory_space<vmem>>) semaphore(%run_scoped3A : memref<!tpu.dma_semaphore, #tpu.memory_space<semaphore_mem>>) {add = true}
        %dma_wait3A_20 = arith.constant 0 : i32
        %dma_wait3A_21 = arith.constant 0 : i32
        %dma_wait3A_22 = tpu.memref_slice %arg10[%dma_wait3A_20, %dma_wait3A_21] : memref<10240x128xf32, #tpu.memory_space<vmem_shared>> -> memref<10240x128xf32, #tpu.memory_space<vmem_shared>>
        tpu.wait_indirect_dma semaphore(%run_scoped3A : memref<!tpu.dma_semaphore, #tpu.memory_space<semaphore_mem>>) src(%arg9 : memref<128x128xf32, #tpu.memory_space<vmem>>) dst(%dma_wait3A_22 : memref<10240x128xf32, #tpu.memory_space<vmem_shared>>)
        tpu.yield
      }) : () -> ()
      %scan3A_16 = arith.constant 0 : i32
      scf.yield %scan3A_16 : i32
    }
    %scan3A_8 = arith.constant 79 : i32
    %barrier3A_9 = arith.constant 0 : index
    tpu.barrier barrier_id(%barrier3A_9)
    "tpu.region"() ({
      %run_scoped3A = tpu.sem_alloc : memref<!tpu.dma_semaphore, #tpu.memory_space<semaphore_mem>>
      %dma_start3A = arith.constant 0 : i32
      %dma_start3A_10 = tpu.memref_slice %arg6[%arg0, %mul3A_2, %dma_start3A] : memref<2x10240x128xf32, #tpu.memory_space<hbm>> -> memref<1x640x128xf32, #tpu.memory_space<hbm>>
      %dma_start3A_11 = tpu.memref_squeeze %dma_start3A_10 : memref<1x640x128xf32, #tpu.memory_space<hbm>> -> memref<640x128xf32, #tpu.memory_space<hbm>>
      %dma_start3A_12 = arith.constant 0 : i32
      %dma_start3A_13 = tpu.memref_slice %arg10[%mul3A_2, %dma_start3A_12] : memref<10240x128xf32, #tpu.memory_space<vmem_shared>> -> memref<640x128xf32, #tpu.memory_space<vmem_shared>>
      tpu.enqueue_dma source(%dma_start3A_13 : memref<640x128xf32, #tpu.memory_space<vmem_shared>>) target(%dma_start3A_11 : memref<640x128xf32, #tpu.memory_space<hbm>>) target_semaphore(%run_scoped3A : memref<!tpu.dma_semaphore, #tpu.memory_space<semaphore_mem>>)
      %dma_wait3A = arith.constant 0 : i32
      %dma_wait3A_14 = tpu.memref_slice %arg6[%arg0, %mul3A_2, %dma_wait3A] : memref<2x10240x128xf32, #tpu.memory_space<hbm>> -> memref<1x640x128xf32, #tpu.memory_space<hbm>>
      %dma_wait3A_15 = tpu.memref_squeeze %dma_wait3A_14 : memref<1x640x128xf32, #tpu.memory_space<hbm>> -> memref<640x128xf32, #tpu.memory_space<hbm>>
      %dma_wait3A_16 = arith.constant 0 : i32
      %dma_wait3A_17 = tpu.memref_slice %arg10[%mul3A_2, %dma_wait3A_16] : memref<10240x128xf32, #tpu.memory_space<vmem_shared>> -> memref<640x128xf32, #tpu.memory_space<vmem_shared>>
      tpu.wait_dma2 semaphore(%run_scoped3A : memref<!tpu.dma_semaphore, #tpu.memory_space<semaphore_mem>>) src(%dma_wait3A_17 : memref<640x128xf32, #tpu.memory_space<vmem_shared>>) dst(%dma_wait3A_15 : memref<640x128xf32, #tpu.memory_space<hbm>>)
      tpu.yield
    }) : () -> ()
    return
  }
}

#map = affine_map<(d0, d1) -> (0, 0)>
#map1 = affine_map<(d0, d1) -> (0, 0, 0)>
module attributes {stable_mosaic.version = 14 : i64} {
  func.func @_sc_aggregate(%arg0: i32, %arg1: i32, %arg2: memref<10240x128xf32, #tpu.memory_space<hbm>>, %arg3: memref<32x79x128xi32, #tpu.memory_space<hbm>>, %arg4: memref<32x79x128xi32, #tpu.memory_space<hbm>>, %arg5: memref<10240x128xf32, #tpu.memory_space<hbm>>, %arg6: memref<2x10240x128xf32, #tpu.memory_space<hbm>>, %arg7: memref<128xi32, #tpu.memory_space<vmem>>, %arg8: memref<128xi32, #tpu.memory_space<vmem>>, %arg9: memref<128x128xf32, #tpu.memory_space<vmem>>, %arg10: memref<10240x128xf32, #tpu.memory_space<vmem_shared>>, %arg11: memref<!tpu.dma_semaphore, #tpu.memory_space<semaphore_mem>>) attributes {dimension_semantics = [#tpu.dimension_semantics<core_parallel>, #tpu.dimension_semantics<subcore_parallel>], iteration_bounds = array<i64: 2, 16>, scalar_prefetch = 0 : i64, scratch_operands = 5 : i64, tpu.core_type = #tpu.core_type<sc_vector_subcore>, window_params = [{transform_indices = #map}, {transform_indices = #map1}, {transform_indices = #map1}, {transform_indices = #map}, {transform_indices = #map1}]} {
    %mul3A = arith.constant 16 : i32
    %mul3A_0 = arith.muli %arg0, %mul3A : i32
    %add3A = arith.addi %mul3A_0, %arg1 : i32
    %mul3A_1 = arith.constant 640 : i32
    %mul3A_2 = arith.muli %arg1, %mul3A_1 : i32
    "tpu.region"() ({
      %run_scoped3A = tpu.sem_alloc : memref<!tpu.dma_semaphore, #tpu.memory_space<semaphore_mem>>
      %dma_start3A = arith.constant 0 : i32
      %dma_start3A_10 = tpu.memref_slice %arg10[%mul3A_2, %dma_start3A] : memref<10240x128xf32, #tpu.memory_space<vmem_shared>> -> memref<640x128xf32, #tpu.memory_space<vmem_shared>>
      %dma_start3A_11 = arith.constant 0 : i32
      %dma_start3A_12 = tpu.memref_slice %arg5[%mul3A_2, %dma_start3A_11] : memref<10240x128xf32, #tpu.memory_space<hbm>> -> memref<640x128xf32, #tpu.memory_space<hbm>>
      tpu.enqueue_dma source(%dma_start3A_12 : memref<640x128xf32, #tpu.memory_space<hbm>>) target(%dma_start3A_10 : memref<640x128xf32, #tpu.memory_space<vmem_shared>>) target_semaphore(%run_scoped3A : memref<!tpu.dma_semaphore, #tpu.memory_space<semaphore_mem>>)
      %dma_wait3A = arith.constant 0 : i32
      %dma_wait3A_13 = tpu.memref_slice %arg10[%mul3A_2, %dma_wait3A] : memref<10240x128xf32, #tpu.memory_space<vmem_shared>> -> memref<640x128xf32, #tpu.memory_space<vmem_shared>>
      %dma_wait3A_14 = arith.constant 0 : i32
      %dma_wait3A_15 = tpu.memref_slice %arg5[%mul3A_2, %dma_wait3A_14] : memref<10240x128xf32, #tpu.memory_space<hbm>> -> memref<640x128xf32, #tpu.memory_space<hbm>>
      tpu.wait_dma2 semaphore(%run_scoped3A : memref<!tpu.dma_semaphore, #tpu.memory_space<semaphore_mem>>) src(%dma_wait3A_15 : memref<640x128xf32, #tpu.memory_space<hbm>>) dst(%dma_wait3A_13 : memref<640x128xf32, #tpu.memory_space<vmem_shared>>)
      tpu.yield
    }) : () -> ()
    %barrier3A = arith.constant 0 : index
    tpu.barrier barrier_id(%barrier3A)
    %scan3A = arith.constant 0 : i32
    %scan3A_3 = arith.constant 0 : i32
    %scan3A_4 = arith.constant 79 : i32
    %scan3A_5 = arith.addi %scan3A_3, %scan3A_4 : i32
    %scan3A_6 = arith.constant 1 : i32
    %scan3A_7 = scf.for %scan3A_10 = %scan3A_3 to %scan3A_5 step %scan3A_6 iter_args(%scan3A_11 = %scan3A) -> (i32)  : i32 {
      "tpu.region"() ({
        %run_scoped3A = tpu.sem_alloc : memref<!tpu.dma_semaphore, #tpu.memory_space<semaphore_mem>>
        %dma_start3A_17 = arith.constant 0 : i32
        %dma_start3A_18 = tpu.memref_slice %arg3[%add3A, %scan3A_10, %dma_start3A_17] : memref<32x79x128xi32, #tpu.memory_space<hbm>> -> memref<1x1x128xi32, #tpu.memory_space<hbm>>
        %dma_start3A_19 = tpu.memref_squeeze %dma_start3A_18 : memref<1x1x128xi32, #tpu.memory_space<hbm>> -> memref<128xi32, #tpu.memory_space<hbm>>
        %dma_start3A_20 = arith.constant 0 : i32
        %dma_start3A_21 = tpu.memref_slice %arg3[%add3A, %scan3A_10, %dma_start3A_20] : memref<32x79x128xi32, #tpu.memory_space<hbm>> -> memref<1x1x128xi32, #tpu.memory_space<hbm>>
        %dma_start3A_22 = tpu.memref_squeeze %dma_start3A_21 : memref<1x1x128xi32, #tpu.memory_space<hbm>> -> memref<128xi32, #tpu.memory_space<hbm>>
        tpu.enqueue_dma source(%dma_start3A_22 : memref<128xi32, #tpu.memory_space<hbm>>) target(%arg7 : memref<128xi32, #tpu.memory_space<vmem>>) target_semaphore(%run_scoped3A : memref<!tpu.dma_semaphore, #tpu.memory_space<semaphore_mem>>)
        %dma_wait3A_23 = arith.constant 0 : i32
        %dma_wait3A_24 = tpu.memref_slice %arg3[%add3A, %scan3A_10, %dma_wait3A_23] : memref<32x79x128xi32, #tpu.memory_space<hbm>> -> memref<1x1x128xi32, #tpu.memory_space<hbm>>
        %dma_wait3A_25 = tpu.memref_squeeze %dma_wait3A_24 : memref<1x1x128xi32, #tpu.memory_space<hbm>> -> memref<128xi32, #tpu.memory_space<hbm>>
        %dma_wait3A_26 = arith.constant 0 : i32
        %dma_wait3A_27 = tpu.memref_slice %arg3[%add3A, %scan3A_10, %dma_wait3A_26] : memref<32x79x128xi32, #tpu.memory_space<hbm>> -> memref<1x1x128xi32, #tpu.memory_space<hbm>>
        %dma_wait3A_28 = tpu.memref_squeeze %dma_wait3A_27 : memref<1x1x128xi32, #tpu.memory_space<hbm>> -> memref<128xi32, #tpu.memory_space<hbm>>
        tpu.wait_dma2 semaphore(%run_scoped3A : memref<!tpu.dma_semaphore, #tpu.memory_space<semaphore_mem>>) src(%dma_wait3A_28 : memref<128xi32, #tpu.memory_space<hbm>>) dst(%arg7 : memref<128xi32, #tpu.memory_space<vmem>>)
        tpu.yield
      }) : () -> ()
      %dma_start3A = arith.constant 0 : i32
      %dma_start3A_12 = arith.constant 0 : i32
      %dma_start3A_13 = tpu.memref_slice %arg2[%dma_start3A, %dma_start3A_12] : memref<10240x128xf32, #tpu.memory_space<hbm>> -> memref<10240x128xf32, #tpu.memory_space<hbm>>
      tpu.enqueue_indirect_dma source(%dma_start3A_13 : memref<10240x128xf32, #tpu.memory_space<hbm>>) target(%arg9 : memref<128x128xf32, #tpu.memory_space<vmem>>) offsets(%arg7 : memref<128xi32, #tpu.memory_space<vmem>>) semaphore(%arg11 : memref<!tpu.dma_semaphore, #tpu.memory_space<semaphore_mem>>)
      %dma_wait3A = arith.constant 0 : i32
      %dma_wait3A_14 = arith.constant 0 : i32
      %dma_wait3A_15 = tpu.memref_slice %arg2[%dma_wait3A, %dma_wait3A_14] : memref<10240x128xf32, #tpu.memory_space<hbm>> -> memref<10240x128xf32, #tpu.memory_space<hbm>>
      tpu.wait_indirect_dma semaphore(%arg11 : memref<!tpu.dma_semaphore, #tpu.memory_space<semaphore_mem>>) src(%dma_wait3A_15 : memref<10240x128xf32, #tpu.memory_space<hbm>>) dst(%arg9 : memref<128x128xf32, #tpu.memory_space<vmem>>)
      "tpu.region"() ({
        %run_scoped3A = tpu.sem_alloc : memref<!tpu.dma_semaphore, #tpu.memory_space<semaphore_mem>>
        %dma_start3A_17 = arith.constant 0 : i32
        %dma_start3A_18 = tpu.memref_slice %arg4[%add3A, %scan3A_10, %dma_start3A_17] : memref<32x79x128xi32, #tpu.memory_space<hbm>> -> memref<1x1x128xi32, #tpu.memory_space<hbm>>
        %dma_start3A_19 = tpu.memref_squeeze %dma_start3A_18 : memref<1x1x128xi32, #tpu.memory_space<hbm>> -> memref<128xi32, #tpu.memory_space<hbm>>
        %dma_start3A_20 = arith.constant 0 : i32
        %dma_start3A_21 = tpu.memref_slice %arg4[%add3A, %scan3A_10, %dma_start3A_20] : memref<32x79x128xi32, #tpu.memory_space<hbm>> -> memref<1x1x128xi32, #tpu.memory_space<hbm>>
        %dma_start3A_22 = tpu.memref_squeeze %dma_start3A_21 : memref<1x1x128xi32, #tpu.memory_space<hbm>> -> memref<128xi32, #tpu.memory_space<hbm>>
        tpu.enqueue_dma source(%dma_start3A_22 : memref<128xi32, #tpu.memory_space<hbm>>) target(%arg8 : memref<128xi32, #tpu.memory_space<vmem>>) target_semaphore(%run_scoped3A : memref<!tpu.dma_semaphore, #tpu.memory_space<semaphore_mem>>)
        %dma_wait3A_23 = arith.constant 0 : i32
        %dma_wait3A_24 = tpu.memref_slice %arg4[%add3A, %scan3A_10, %dma_wait3A_23] : memref<32x79x128xi32, #tpu.memory_space<hbm>> -> memref<1x1x128xi32, #tpu.memory_space<hbm>>
        %dma_wait3A_25 = tpu.memref_squeeze %dma_wait3A_24 : memref<1x1x128xi32, #tpu.memory_space<hbm>> -> memref<128xi32, #tpu.memory_space<hbm>>
        %dma_wait3A_26 = arith.constant 0 : i32
        %dma_wait3A_27 = tpu.memref_slice %arg4[%add3A, %scan3A_10, %dma_wait3A_26] : memref<32x79x128xi32, #tpu.memory_space<hbm>> -> memref<1x1x128xi32, #tpu.memory_space<hbm>>
        %dma_wait3A_28 = tpu.memref_squeeze %dma_wait3A_27 : memref<1x1x128xi32, #tpu.memory_space<hbm>> -> memref<128xi32, #tpu.memory_space<hbm>>
        tpu.wait_dma2 semaphore(%run_scoped3A : memref<!tpu.dma_semaphore, #tpu.memory_space<semaphore_mem>>) src(%dma_wait3A_28 : memref<128xi32, #tpu.memory_space<hbm>>) dst(%arg8 : memref<128xi32, #tpu.memory_space<vmem>>)
        tpu.yield
      }) : () -> ()
      "tpu.region"() ({
        %run_scoped3A = tpu.sem_alloc : memref<!tpu.dma_semaphore, #tpu.memory_space<semaphore_mem>>
        %dma_start3A_17 = arith.constant 0 : i32
        %dma_start3A_18 = arith.constant 0 : i32
        %dma_start3A_19 = tpu.memref_slice %arg10[%dma_start3A_17, %dma_start3A_18] : memref<10240x128xf32, #tpu.memory_space<vmem_shared>> -> memref<10240x128xf32, #tpu.memory_space<vmem_shared>>
        tpu.enqueue_indirect_dma source(%arg9 : memref<128x128xf32, #tpu.memory_space<vmem>>) target(%dma_start3A_19 : memref<10240x128xf32, #tpu.memory_space<vmem_shared>>) offsets(%arg8 : memref<128xi32, #tpu.memory_space<vmem>>) semaphore(%run_scoped3A : memref<!tpu.dma_semaphore, #tpu.memory_space<semaphore_mem>>) {add = true}
        %dma_wait3A_20 = arith.constant 0 : i32
        %dma_wait3A_21 = arith.constant 0 : i32
        %dma_wait3A_22 = tpu.memref_slice %arg10[%dma_wait3A_20, %dma_wait3A_21] : memref<10240x128xf32, #tpu.memory_space<vmem_shared>> -> memref<10240x128xf32, #tpu.memory_space<vmem_shared>>
        tpu.wait_indirect_dma semaphore(%run_scoped3A : memref<!tpu.dma_semaphore, #tpu.memory_space<semaphore_mem>>) src(%arg9 : memref<128x128xf32, #tpu.memory_space<vmem>>) dst(%dma_wait3A_22 : memref<10240x128xf32, #tpu.memory_space<vmem_shared>>)
        tpu.yield
      }) : () -> ()
      %scan3A_16 = arith.constant 0 : i32
      scf.yield %scan3A_16 : i32
    }
    %scan3A_8 = arith.constant 79 : i32
    %barrier3A_9 = arith.constant 0 : index
    tpu.barrier barrier_id(%barrier3A_9)
    "tpu.region"() ({
      %run_scoped3A = tpu.sem_alloc : memref<!tpu.dma_semaphore, #tpu.memory_space<semaphore_mem>>
      %dma_start3A = arith.constant 0 : i32
      %dma_start3A_10 = tpu.memref_slice %arg6[%arg0, %mul3A_2, %dma_start3A] : memref<2x10240x128xf32, #tpu.memory_space<hbm>> -> memref<1x640x128xf32, #tpu.memory_space<hbm>>
      %dma_start3A_11 = tpu.memref_squeeze %dma_start3A_10 : memref<1x640x128xf32, #tpu.memory_space<hbm>> -> memref<640x128xf32, #tpu.memory_space<hbm>>
      %dma_start3A_12 = arith.constant 0 : i32
      %dma_start3A_13 = tpu.memref_slice %arg10[%mul3A_2, %dma_start3A_12] : memref<10240x128xf32, #tpu.memory_space<vmem_shared>> -> memref<640x128xf32, #tpu.memory_space<vmem_shared>>
      tpu.enqueue_dma source(%dma_start3A_13 : memref<640x128xf32, #tpu.memory_space<vmem_shared>>) target(%dma_start3A_11 : memref<640x128xf32, #tpu.memory_space<hbm>>) target_semaphore(%run_scoped3A : memref<!tpu.dma_semaphore, #tpu.memory_space<semaphore_mem>>)
      %dma_wait3A = arith.constant 0 : i32
      %dma_wait3A_14 = tpu.memref_slice %arg6[%arg0, %mul3A_2, %dma_wait3A] : memref<2x10240x128xf32, #tpu.memory_space<hbm>> -> memref<1x640x128xf32, #tpu.memory_space<hbm>>
      %dma_wait3A_15 = tpu.memref_squeeze %dma_wait3A_14 : memref<1x640x128xf32, #tpu.memory_space<hbm>> -> memref<640x128xf32, #tpu.memory_space<hbm>>
      %dma_wait3A_16 = arith.constant 0 : i32
      %dma_wait3A_17 = tpu.memref_slice %arg10[%mul3A_2, %dma_wait3A_16] : memref<10240x128xf32, #tpu.memory_space<vmem_shared>> -> memref<640x128xf32, #tpu.memory_space<vmem_shared>>
      tpu.wait_dma2 semaphore(%run_scoped3A : memref<!tpu.dma_semaphore, #tpu.memory_space<semaphore_mem>>) src(%dma_wait3A_17 : memref<640x128xf32, #tpu.memory_space<vmem_shared>>) dst(%dma_wait3A_15 : memref<640x128xf32, #tpu.memory_space<hbm>>)
      tpu.yield
    }) : () -> ()
    return
  }
}

#map = affine_map<(d0, d1) -> (0, 0)>
#map1 = affine_map<(d0, d1) -> (0, 0, 0)>
module attributes {stable_mosaic.version = 14 : i64} {
  func.func @_sc_aggregate(%arg0: i32, %arg1: i32, %arg2: memref<10240x128xf32, #tpu.memory_space<hbm>>, %arg3: memref<32x79x128xi32, #tpu.memory_space<hbm>>, %arg4: memref<32x79x128xi32, #tpu.memory_space<hbm>>, %arg5: memref<10240x128xf32, #tpu.memory_space<hbm>>, %arg6: memref<2x10240x128xf32, #tpu.memory_space<hbm>>, %arg7: memref<128xi32, #tpu.memory_space<vmem>>, %arg8: memref<128xi32, #tpu.memory_space<vmem>>, %arg9: memref<128x128xf32, #tpu.memory_space<vmem>>, %arg10: memref<10240x128xf32, #tpu.memory_space<vmem_shared>>, %arg11: memref<!tpu.dma_semaphore, #tpu.memory_space<semaphore_mem>>) attributes {dimension_semantics = [#tpu.dimension_semantics<core_parallel>, #tpu.dimension_semantics<subcore_parallel>], iteration_bounds = array<i64: 2, 16>, scalar_prefetch = 0 : i64, scratch_operands = 5 : i64, tpu.core_type = #tpu.core_type<sc_vector_subcore>, window_params = [{transform_indices = #map}, {transform_indices = #map1}, {transform_indices = #map1}, {transform_indices = #map}, {transform_indices = #map1}]} {
    %mul3A = arith.constant 16 : i32
    %mul3A_0 = arith.muli %arg0, %mul3A : i32
    %add3A = arith.addi %mul3A_0, %arg1 : i32
    %mul3A_1 = arith.constant 640 : i32
    %mul3A_2 = arith.muli %arg1, %mul3A_1 : i32
    "tpu.region"() ({
      %run_scoped3A = tpu.sem_alloc : memref<!tpu.dma_semaphore, #tpu.memory_space<semaphore_mem>>
      %dma_start3A = arith.constant 0 : i32
      %dma_start3A_10 = tpu.memref_slice %arg10[%mul3A_2, %dma_start3A] : memref<10240x128xf32, #tpu.memory_space<vmem_shared>> -> memref<640x128xf32, #tpu.memory_space<vmem_shared>>
      %dma_start3A_11 = arith.constant 0 : i32
      %dma_start3A_12 = tpu.memref_slice %arg5[%mul3A_2, %dma_start3A_11] : memref<10240x128xf32, #tpu.memory_space<hbm>> -> memref<640x128xf32, #tpu.memory_space<hbm>>
      tpu.enqueue_dma source(%dma_start3A_12 : memref<640x128xf32, #tpu.memory_space<hbm>>) target(%dma_start3A_10 : memref<640x128xf32, #tpu.memory_space<vmem_shared>>) target_semaphore(%run_scoped3A : memref<!tpu.dma_semaphore, #tpu.memory_space<semaphore_mem>>)
      %dma_wait3A = arith.constant 0 : i32
      %dma_wait3A_13 = tpu.memref_slice %arg10[%mul3A_2, %dma_wait3A] : memref<10240x128xf32, #tpu.memory_space<vmem_shared>> -> memref<640x128xf32, #tpu.memory_space<vmem_shared>>
      %dma_wait3A_14 = arith.constant 0 : i32
      %dma_wait3A_15 = tpu.memref_slice %arg5[%mul3A_2, %dma_wait3A_14] : memref<10240x128xf32, #tpu.memory_space<hbm>> -> memref<640x128xf32, #tpu.memory_space<hbm>>
      tpu.wait_dma2 semaphore(%run_scoped3A : memref<!tpu.dma_semaphore, #tpu.memory_space<semaphore_mem>>) src(%dma_wait3A_15 : memref<640x128xf32, #tpu.memory_space<hbm>>) dst(%dma_wait3A_13 : memref<640x128xf32, #tpu.memory_space<vmem_shared>>)
      tpu.yield
    }) : () -> ()
    %barrier3A = arith.constant 0 : index
    tpu.barrier barrier_id(%barrier3A)
    %scan3A = arith.constant 0 : i32
    %scan3A_3 = arith.constant 0 : i32
    %scan3A_4 = arith.constant 79 : i32
    %scan3A_5 = arith.addi %scan3A_3, %scan3A_4 : i32
    %scan3A_6 = arith.constant 1 : i32
    %scan3A_7 = scf.for %scan3A_10 = %scan3A_3 to %scan3A_5 step %scan3A_6 iter_args(%scan3A_11 = %scan3A) -> (i32)  : i32 {
      "tpu.region"() ({
        %run_scoped3A = tpu.sem_alloc : memref<!tpu.dma_semaphore, #tpu.memory_space<semaphore_mem>>
        %dma_start3A_17 = arith.constant 0 : i32
        %dma_start3A_18 = tpu.memref_slice %arg3[%add3A, %scan3A_10, %dma_start3A_17] : memref<32x79x128xi32, #tpu.memory_space<hbm>> -> memref<1x1x128xi32, #tpu.memory_space<hbm>>
        %dma_start3A_19 = tpu.memref_squeeze %dma_start3A_18 : memref<1x1x128xi32, #tpu.memory_space<hbm>> -> memref<128xi32, #tpu.memory_space<hbm>>
        %dma_start3A_20 = arith.constant 0 : i32
        %dma_start3A_21 = tpu.memref_slice %arg3[%add3A, %scan3A_10, %dma_start3A_20] : memref<32x79x128xi32, #tpu.memory_space<hbm>> -> memref<1x1x128xi32, #tpu.memory_space<hbm>>
        %dma_start3A_22 = tpu.memref_squeeze %dma_start3A_21 : memref<1x1x128xi32, #tpu.memory_space<hbm>> -> memref<128xi32, #tpu.memory_space<hbm>>
        tpu.enqueue_dma source(%dma_start3A_22 : memref<128xi32, #tpu.memory_space<hbm>>) target(%arg7 : memref<128xi32, #tpu.memory_space<vmem>>) target_semaphore(%run_scoped3A : memref<!tpu.dma_semaphore, #tpu.memory_space<semaphore_mem>>)
        %dma_wait3A_23 = arith.constant 0 : i32
        %dma_wait3A_24 = tpu.memref_slice %arg3[%add3A, %scan3A_10, %dma_wait3A_23] : memref<32x79x128xi32, #tpu.memory_space<hbm>> -> memref<1x1x128xi32, #tpu.memory_space<hbm>>
        %dma_wait3A_25 = tpu.memref_squeeze %dma_wait3A_24 : memref<1x1x128xi32, #tpu.memory_space<hbm>> -> memref<128xi32, #tpu.memory_space<hbm>>
        %dma_wait3A_26 = arith.constant 0 : i32
        %dma_wait3A_27 = tpu.memref_slice %arg3[%add3A, %scan3A_10, %dma_wait3A_26] : memref<32x79x128xi32, #tpu.memory_space<hbm>> -> memref<1x1x128xi32, #tpu.memory_space<hbm>>
        %dma_wait3A_28 = tpu.memref_squeeze %dma_wait3A_27 : memref<1x1x128xi32, #tpu.memory_space<hbm>> -> memref<128xi32, #tpu.memory_space<hbm>>
        tpu.wait_dma2 semaphore(%run_scoped3A : memref<!tpu.dma_semaphore, #tpu.memory_space<semaphore_mem>>) src(%dma_wait3A_28 : memref<128xi32, #tpu.memory_space<hbm>>) dst(%arg7 : memref<128xi32, #tpu.memory_space<vmem>>)
        tpu.yield
      }) : () -> ()
      %dma_start3A = arith.constant 0 : i32
      %dma_start3A_12 = arith.constant 0 : i32
      %dma_start3A_13 = tpu.memref_slice %arg2[%dma_start3A, %dma_start3A_12] : memref<10240x128xf32, #tpu.memory_space<hbm>> -> memref<10240x128xf32, #tpu.memory_space<hbm>>
      tpu.enqueue_indirect_dma source(%dma_start3A_13 : memref<10240x128xf32, #tpu.memory_space<hbm>>) target(%arg9 : memref<128x128xf32, #tpu.memory_space<vmem>>) offsets(%arg7 : memref<128xi32, #tpu.memory_space<vmem>>) semaphore(%arg11 : memref<!tpu.dma_semaphore, #tpu.memory_space<semaphore_mem>>)
      %dma_wait3A = arith.constant 0 : i32
      %dma_wait3A_14 = arith.constant 0 : i32
      %dma_wait3A_15 = tpu.memref_slice %arg2[%dma_wait3A, %dma_wait3A_14] : memref<10240x128xf32, #tpu.memory_space<hbm>> -> memref<10240x128xf32, #tpu.memory_space<hbm>>
      tpu.wait_indirect_dma semaphore(%arg11 : memref<!tpu.dma_semaphore, #tpu.memory_space<semaphore_mem>>) src(%dma_wait3A_15 : memref<10240x128xf32, #tpu.memory_space<hbm>>) dst(%arg9 : memref<128x128xf32, #tpu.memory_space<vmem>>)
      "tpu.region"() ({
        %run_scoped3A = tpu.sem_alloc : memref<!tpu.dma_semaphore, #tpu.memory_space<semaphore_mem>>
        %dma_start3A_17 = arith.constant 0 : i32
        %dma_start3A_18 = tpu.memref_slice %arg4[%add3A, %scan3A_10, %dma_start3A_17] : memref<32x79x128xi32, #tpu.memory_space<hbm>> -> memref<1x1x128xi32, #tpu.memory_space<hbm>>
        %dma_start3A_19 = tpu.memref_squeeze %dma_start3A_18 : memref<1x1x128xi32, #tpu.memory_space<hbm>> -> memref<128xi32, #tpu.memory_space<hbm>>
        %dma_start3A_20 = arith.constant 0 : i32
        %dma_start3A_21 = tpu.memref_slice %arg4[%add3A, %scan3A_10, %dma_start3A_20] : memref<32x79x128xi32, #tpu.memory_space<hbm>> -> memref<1x1x128xi32, #tpu.memory_space<hbm>>
        %dma_start3A_22 = tpu.memref_squeeze %dma_start3A_21 : memref<1x1x128xi32, #tpu.memory_space<hbm>> -> memref<128xi32, #tpu.memory_space<hbm>>
        tpu.enqueue_dma source(%dma_start3A_22 : memref<128xi32, #tpu.memory_space<hbm>>) target(%arg8 : memref<128xi32, #tpu.memory_space<vmem>>) target_semaphore(%run_scoped3A : memref<!tpu.dma_semaphore, #tpu.memory_space<semaphore_mem>>)
        %dma_wait3A_23 = arith.constant 0 : i32
        %dma_wait3A_24 = tpu.memref_slice %arg4[%add3A, %scan3A_10, %dma_wait3A_23] : memref<32x79x128xi32, #tpu.memory_space<hbm>> -> memref<1x1x128xi32, #tpu.memory_space<hbm>>
        %dma_wait3A_25 = tpu.memref_squeeze %dma_wait3A_24 : memref<1x1x128xi32, #tpu.memory_space<hbm>> -> memref<128xi32, #tpu.memory_space<hbm>>
        %dma_wait3A_26 = arith.constant 0 : i32
        %dma_wait3A_27 = tpu.memref_slice %arg4[%add3A, %scan3A_10, %dma_wait3A_26] : memref<32x79x128xi32, #tpu.memory_space<hbm>> -> memref<1x1x128xi32, #tpu.memory_space<hbm>>
        %dma_wait3A_28 = tpu.memref_squeeze %dma_wait3A_27 : memref<1x1x128xi32, #tpu.memory_space<hbm>> -> memref<128xi32, #tpu.memory_space<hbm>>
        tpu.wait_dma2 semaphore(%run_scoped3A : memref<!tpu.dma_semaphore, #tpu.memory_space<semaphore_mem>>) src(%dma_wait3A_28 : memref<128xi32, #tpu.memory_space<hbm>>) dst(%arg8 : memref<128xi32, #tpu.memory_space<vmem>>)
        tpu.yield
      }) : () -> ()
      "tpu.region"() ({
        %run_scoped3A = tpu.sem_alloc : memref<!tpu.dma_semaphore, #tpu.memory_space<semaphore_mem>>
        %dma_start3A_17 = arith.constant 0 : i32
        %dma_start3A_18 = arith.constant 0 : i32
        %dma_start3A_19 = tpu.memref_slice %arg10[%dma_start3A_17, %dma_start3A_18] : memref<10240x128xf32, #tpu.memory_space<vmem_shared>> -> memref<10240x128xf32, #tpu.memory_space<vmem_shared>>
        tpu.enqueue_indirect_dma source(%arg9 : memref<128x128xf32, #tpu.memory_space<vmem>>) target(%dma_start3A_19 : memref<10240x128xf32, #tpu.memory_space<vmem_shared>>) offsets(%arg8 : memref<128xi32, #tpu.memory_space<vmem>>) semaphore(%run_scoped3A : memref<!tpu.dma_semaphore, #tpu.memory_space<semaphore_mem>>) {add = true}
        %dma_wait3A_20 = arith.constant 0 : i32
        %dma_wait3A_21 = arith.constant 0 : i32
        %dma_wait3A_22 = tpu.memref_slice %arg10[%dma_wait3A_20, %dma_wait3A_21] : memref<10240x128xf32, #tpu.memory_space<vmem_shared>> -> memref<10240x128xf32, #tpu.memory_space<vmem_shared>>
        tpu.wait_indirect_dma semaphore(%run_scoped3A : memref<!tpu.dma_semaphore, #tpu.memory_space<semaphore_mem>>) src(%arg9 : memref<128x128xf32, #tpu.memory_space<vmem>>) dst(%dma_wait3A_22 : memref<10240x128xf32, #tpu.memory_space<vmem_shared>>)
        tpu.yield
      }) : () -> ()
      %scan3A_16 = arith.constant 0 : i32
      scf.yield %scan3A_16 : i32
    }
    %scan3A_8 = arith.constant 79 : i32
    %barrier3A_9 = arith.constant 0 : index
    tpu.barrier barrier_id(%barrier3A_9)
    "tpu.region"() ({
      %run_scoped3A = tpu.sem_alloc : memref<!tpu.dma_semaphore, #tpu.memory_space<semaphore_mem>>
      %dma_start3A = arith.constant 0 : i32
      %dma_start3A_10 = tpu.memref_slice %arg6[%arg0, %mul3A_2, %dma_start3A] : memref<2x10240x128xf32, #tpu.memory_space<hbm>> -> memref<1x640x128xf32, #tpu.memory_space<hbm>>
      %dma_start3A_11 = tpu.memref_squeeze %dma_start3A_10 : memref<1x640x128xf32, #tpu.memory_space<hbm>> -> memref<640x128xf32, #tpu.memory_space<hbm>>
      %dma_start3A_12 = arith.constant 0 : i32
      %dma_start3A_13 = tpu.memref_slice %arg10[%mul3A_2, %dma_start3A_12] : memref<10240x128xf32, #tpu.memory_space<vmem_shared>> -> memref<640x128xf32, #tpu.memory_space<vmem_shared>>
      tpu.enqueue_dma source(%dma_start3A_13 : memref<640x128xf32, #tpu.memory_space<vmem_shared>>) target(%dma_start3A_11 : memref<640x128xf32, #tpu.memory_space<hbm>>) target_semaphore(%run_scoped3A : memref<!tpu.dma_semaphore, #tpu.memory_space<semaphore_mem>>)
      %dma_wait3A = arith.constant 0 : i32
      %dma_wait3A_14 = tpu.memref_slice %arg6[%arg0, %mul3A_2, %dma_wait3A] : memref<2x10240x128xf32, #tpu.memory_space<hbm>> -> memref<1x640x128xf32, #tpu.memory_space<hbm>>
      %dma_wait3A_15 = tpu.memref_squeeze %dma_wait3A_14 : memref<1x640x128xf32, #tpu.memory_space<hbm>> -> memref<640x128xf32, #tpu.memory_space<hbm>>
      %dma_wait3A_16 = arith.constant 0 : i32
      %dma_wait3A_17 = tpu.memref_slice %arg10[%mul3A_2, %dma_wait3A_16] : memref<10240x128xf32, #tpu.memory_space<vmem_shared>> -> memref<640x128xf32, #tpu.memory_space<vmem_shared>>
      tpu.wait_dma2 semaphore(%run_scoped3A : memref<!tpu.dma_semaphore, #tpu.memory_space<semaphore_mem>>) src(%dma_wait3A_17 : memref<640x128xf32, #tpu.memory_space<vmem_shared>>) dst(%dma_wait3A_15 : memref<640x128xf32, #tpu.memory_space<hbm>>)
      tpu.yield
    }) : () -> ()
    return
  }
}

module attributes {stable_mosaic.version = 14 : i64} {
  func.func @_tc_first_body(%arg0: i32, %arg1: memref<2x1280x1xf32, #tpu.memory_space<vmem>>, %arg2: memref<2x1280x1xf32, #tpu.memory_space<vmem>>, %arg3: memref<1280x128xf32, #tpu.memory_space<vmem>>, %arg4: memref<128x128xf32, #tpu.memory_space<vmem>>, %arg5: memref<1280x128xf32, #tpu.memory_space<vmem>>, %arg6: memref<1280x1xf32, #tpu.memory_space<vmem>>, %arg7: memref<1280x1xf32, #tpu.memory_space<vmem>>) attributes {dimension_semantics = [#tpu.dimension_semantics<arbitrary>], iteration_bounds = array<i64: 8>, scalar_prefetch = 0 : i64, scratch_operands = 0 : i64, tpu.core_type = #tpu.core_type<tc>, window_params = [{transform_indices = @transform_0, window_bounds = array<i64: 2, 1280, 1>}, {transform_indices = @transform_1, window_bounds = array<i64: 2, 1280, 1>}, {transform_indices = @transform_2, window_bounds = array<i64: 1280, 128>}, {pipeline_mode = #tpu.pipeline_mode<synchronous>, transform_indices = @transform_3, window_bounds = array<i64: 128, 128>}, {transform_indices = @transform_4, window_bounds = array<i64: 1280, 128>}, {transform_indices = @transform_5, window_bounds = array<i64: 1280, 1>}, {transform_indices = @transform_6, window_bounds = array<i64: 1280, 1>}]} {
    %get3A = arith.constant 0 : index
    %get3A_0 = arith.constant 0 : index
    %get3A_1 = arith.constant 0 : index
    %get3A_2 = vector.load %arg1[%get3A, %get3A_0, %get3A_1] : memref<2x1280x1xf32, #tpu.memory_space<vmem>>, vector<1x1280x1xf32>
    %get3A_3 = vector.shape_cast %get3A_2 : vector<1x1280x1xf32> to vector<1280x1xf32>
    %get3A_4 = arith.constant 1 : index
    %get3A_5 = arith.constant 0 : index
    %get3A_6 = arith.constant 0 : index
    %get3A_7 = vector.load %arg1[%get3A_4, %get3A_5, %get3A_6] : memref<2x1280x1xf32, #tpu.memory_space<vmem>>, vector<1x1280x1xf32>
    %get3A_8 = vector.shape_cast %get3A_7 : vector<1x1280x1xf32> to vector<1280x1xf32>
    %add3A = arith.addf %get3A_3, %get3A_8 : vector<1280x1xf32>
    %add3A_9 = arith.constant 1.000000e+00 : f32
    %add3A_10 = vector.broadcast %add3A_9 : f32 to vector<1280x1xf32>
    %add3A_11 = arith.addf %add3A, %add3A_10 : vector<1280x1xf32>
    %rsqrt3A = math.rsqrt %add3A_11 : vector<1280x1xf32>
    %get3A_12 = arith.constant 0 : index
    %get3A_13 = arith.constant 0 : index
    %get3A_14 = arith.constant 0 : index
    %get3A_15 = vector.load %arg2[%get3A_12, %get3A_13, %get3A_14] : memref<2x1280x1xf32, #tpu.memory_space<vmem>>, vector<1x1280x1xf32>
    %get3A_16 = vector.shape_cast %get3A_15 : vector<1x1280x1xf32> to vector<1280x1xf32>
    %get3A_17 = arith.constant 1 : index
    %get3A_18 = arith.constant 0 : index
    %get3A_19 = arith.constant 0 : index
    %get3A_20 = vector.load %arg2[%get3A_17, %get3A_18, %get3A_19] : memref<2x1280x1xf32, #tpu.memory_space<vmem>>, vector<1x1280x1xf32>
    %get3A_21 = vector.shape_cast %get3A_20 : vector<1x1280x1xf32> to vector<1280x1xf32>
    %add3A_22 = arith.addf %get3A_16, %get3A_21 : vector<1280x1xf32>
    %add3A_23 = arith.constant 1.000000e+00 : f32
    %add3A_24 = vector.broadcast %add3A_23 : f32 to vector<1280x1xf32>
    %add3A_25 = arith.addf %add3A_22, %add3A_24 : vector<1280x1xf32>
    %rsqrt3A_26 = math.rsqrt %add3A_25 : vector<1280x1xf32>
    %swap3A = arith.constant 0 : index
    %swap3A_27 = arith.constant 0 : index
    %swap3A_28 = vector.load %arg6[%swap3A, %swap3A_27] : memref<1280x1xf32, #tpu.memory_space<vmem>>, vector<1280x1xf32>
    tpu.vector_store %arg6[%swap3A, %swap3A_27], %rsqrt3A {strides = array<i32>} : memref<1280x1xf32, #tpu.memory_space<vmem>>, vector<1280x1xf32>,
    %swap3A_29 = arith.constant 0 : index
    %swap3A_30 = arith.constant 0 : index
    %swap3A_31 = vector.load %arg7[%swap3A_29, %swap3A_30] : memref<1280x1xf32, #tpu.memory_space<vmem>>, vector<1280x1xf32>
    tpu.vector_store %arg7[%swap3A_29, %swap3A_30], %rsqrt3A_26 {strides = array<i32>} : memref<1280x1xf32, #tpu.memory_space<vmem>>, vector<1280x1xf32>,
    %get3A_32 = arith.constant 0 : index
    %get3A_33 = arith.constant 0 : index
    %get3A_34 = vector.load %arg3[%get3A_32, %get3A_33] : memref<1280x128xf32, #tpu.memory_space<vmem>>, vector<1280x128xf32>
    %mul3A = vector.broadcast %rsqrt3A : vector<1280x1xf32> to vector<1280x128xf32>
    %mul3A_35 = arith.mulf %get3A_34, %mul3A : vector<1280x128xf32>
    %get3A_36 = arith.constant 0 : index
    %get3A_37 = arith.constant 0 : index
    %get3A_38 = vector.load %arg4[%get3A_36, %get3A_37] : memref<128x128xf32, #tpu.memory_space<vmem>>, vector<128x128xf32>
    %dot_general3A = arith.constant dense<0.000000e+00> : vector<1280x128xf32>
    %dot_general3A_39 = tpu.matmul %mul3A_35, %get3A_38, %dot_general3A {dimension_numbers = #tpu.dot_dimension_numbers<[1], [0], [0], [1], [0, 0, 1, 1], [], []>, transpose_lhs_hint = false} : vector<1280x128xf32>, vector<128x128xf32>, vector<1280x128xf32> -> vector<1280x128xf32>
    %swap3A_40 = arith.constant 0 : index
    %swap3A_41 = arith.constant 0 : index
    %swap3A_42 = vector.load %arg5[%swap3A_40, %swap3A_41] : memref<1280x128xf32, #tpu.memory_space<vmem>>, vector<1280x128xf32>
    tpu.vector_store %arg5[%swap3A_40, %swap3A_41], %dot_general3A_39 {strides = array<i32>} : memref<1280x128xf32, #tpu.memory_space<vmem>>, vector<1280x128xf32>,
    return
  }
  func.func @transform_0(%arg0: i32) -> (i32, i32, i32) {
    %c0_i32 = arith.constant 0 : i32
    %c0_i32_0 = arith.constant 0 : i32
    %c0_i32_1 = arith.constant 0 : i32
    return %c0_i32, %arg0, %c0_i32_0 : i32, i32, i32
  }
  func.func @transform_1(%arg0: i32) -> (i32, i32, i32) {
    %c0_i32 = arith.constant 0 : i32
    %c0_i32_0 = arith.constant 0 : i32
    %c0_i32_1 = arith.constant 0 : i32
    return %c0_i32, %arg0, %c0_i32_0 : i32, i32, i32
  }
  func.func @transform_2(%arg0: i32) -> (i32, i32) {
    %c0_i32 = arith.constant 0 : i32
    %c0_i32_0 = arith.constant 0 : i32
    return %arg0, %c0_i32 : i32, i32
  }
  func.func @transform_3(%arg0: i32) -> (i32, i32) {
    %c0_i32 = arith.constant 0 : i32
    %c0_i32_0 = arith.constant 0 : i32
    %c0_i32_1 = arith.constant 0 : i32
    return %c0_i32, %c0_i32_0 : i32, i32
  }
  func.func @transform_4(%arg0: i32) -> (i32, i32) {
    %c0_i32 = arith.constant 0 : i32
    %c0_i32_0 = arith.constant 0 : i32
    return %arg0, %c0_i32 : i32, i32
  }
  func.func @transform_5(%arg0: i32) -> (i32, i32) {
    %c0_i32 = arith.constant 0 : i32
    %c0_i32_0 = arith.constant 0 : i32
    return %arg0, %c0_i32 : i32, i32
  }
  func.func @transform_6(%arg0: i32) -> (i32, i32) {
    %c0_i32 = arith.constant 0 : i32
    %c0_i32_0 = arith.constant 0 : i32
    return %arg0, %c0_i32 : i32, i32
  }
}

module attributes {stable_mosaic.version = 14 : i64} {
  func.func @_tc_mid_body(%arg0: i32, %arg1: memref<2x1280x128xf32, #tpu.memory_space<vmem>>, %arg2: memref<1280x128xf32, #tpu.memory_space<vmem>>, %arg3: memref<1280x1xf32, #tpu.memory_space<vmem>>, %arg4: memref<1280x1xf32, #tpu.memory_space<vmem>>, %arg5: memref<1x128xf32, #tpu.memory_space<vmem>>, %arg6: memref<128x128xf32, #tpu.memory_space<vmem>>, %arg7: memref<1280x128xf32, #tpu.memory_space<vmem>>) attributes {dimension_semantics = [#tpu.dimension_semantics<arbitrary>], iteration_bounds = array<i64: 8>, scalar_prefetch = 0 : i64, scratch_operands = 0 : i64, tpu.core_type = #tpu.core_type<tc>, window_params = [{transform_indices = @transform_0, window_bounds = array<i64: 2, 1280, 128>}, {transform_indices = @transform_1, window_bounds = array<i64: 1280, 128>}, {transform_indices = @transform_2, window_bounds = array<i64: 1280, 1>}, {transform_indices = @transform_3, window_bounds = array<i64: 1280, 1>}, {pipeline_mode = #tpu.pipeline_mode<synchronous>, transform_indices = @transform_4, window_bounds = array<i64: 1, 128>}, {pipeline_mode = #tpu.pipeline_mode<synchronous>, transform_indices = @transform_5, window_bounds = array<i64: 128, 128>}, {transform_indices = @transform_6, window_bounds = array<i64: 1280, 128>}]} {
    %get3A = arith.constant 0 : index
    %get3A_0 = arith.constant 0 : index
    %get3A_1 = arith.constant 0 : index
    %get3A_2 = vector.load %arg1[%get3A, %get3A_0, %get3A_1] : memref<2x1280x128xf32, #tpu.memory_space<vmem>>, vector<1x1280x128xf32>
    %get3A_3 = vector.shape_cast %get3A_2 : vector<1x1280x128xf32> to vector<1280x128xf32>
    %get3A_4 = arith.constant 1 : index
    %get3A_5 = arith.constant 0 : index
    %get3A_6 = arith.constant 0 : index
    %get3A_7 = vector.load %arg1[%get3A_4, %get3A_5, %get3A_6] : memref<2x1280x128xf32, #tpu.memory_space<vmem>>, vector<1x1280x128xf32>
    %get3A_8 = vector.shape_cast %get3A_7 : vector<1x1280x128xf32> to vector<1280x128xf32>
    %add3A = arith.addf %get3A_3, %get3A_8 : vector<1280x128xf32>
    %get3A_9 = arith.constant 0 : index
    %get3A_10 = arith.constant 0 : index
    %get3A_11 = vector.load %arg2[%get3A_9, %get3A_10] : memref<1280x128xf32, #tpu.memory_space<vmem>>, vector<1280x128xf32>
    %add3A_12 = arith.addf %add3A, %get3A_11 : vector<1280x128xf32>
    %get3A_13 = arith.constant 0 : index
    %get3A_14 = arith.constant 0 : index
    %get3A_15 = vector.load %arg3[%get3A_13, %get3A_14] : memref<1280x1xf32, #tpu.memory_space<vmem>>, vector<1280x1xf32>
    %mul3A = vector.broadcast %get3A_15 : vector<1280x1xf32> to vector<1280x128xf32>
    %mul3A_16 = arith.mulf %add3A_12, %mul3A : vector<1280x128xf32>
    %get3A_17 = arith.constant 0 : index
    %get3A_18 = arith.constant 0 : index
    %get3A_19 = vector.load %arg5[%get3A_17, %get3A_18] : memref<1x128xf32, #tpu.memory_space<vmem>>, vector<1x128xf32>
    %add3A_20 = vector.broadcast %get3A_19 : vector<1x128xf32> to vector<1280x128xf32>
    %add3A_21 = arith.addf %mul3A_16, %add3A_20 : vector<1280x128xf32>
    %max3A = arith.constant 0.000000e+00 : f32
    %max3A_22 = vector.broadcast %max3A : f32 to vector<1280x128xf32>
    %max3A_23 = arith.maximumf %add3A_21, %max3A_22 : vector<1280x128xf32>
    %get3A_24 = arith.constant 0 : index
    %get3A_25 = arith.constant 0 : index
    %get3A_26 = vector.load %arg4[%get3A_24, %get3A_25] : memref<1280x1xf32, #tpu.memory_space<vmem>>, vector<1280x1xf32>
    %mul3A_27 = vector.broadcast %get3A_26 : vector<1280x1xf32> to vector<1280x128xf32>
    %mul3A_28 = arith.mulf %max3A_23, %mul3A_27 : vector<1280x128xf32>
    %get3A_29 = arith.constant 0 : index
    %get3A_30 = arith.constant 0 : index
    %get3A_31 = vector.load %arg6[%get3A_29, %get3A_30] : memref<128x128xf32, #tpu.memory_space<vmem>>, vector<128x128xf32>
    %dot_general3A = arith.constant dense<0.000000e+00> : vector<1280x128xf32>
    %dot_general3A_32 = tpu.matmul %mul3A_28, %get3A_31, %dot_general3A {dimension_numbers = #tpu.dot_dimension_numbers<[1], [0], [0], [1], [0, 0, 1, 1], [], []>, transpose_lhs_hint = false} : vector<1280x128xf32>, vector<128x128xf32>, vector<1280x128xf32> -> vector<1280x128xf32>
    %swap3A = arith.constant 0 : index
    %swap3A_33 = arith.constant 0 : index
    %swap3A_34 = vector.load %arg7[%swap3A, %swap3A_33] : memref<1280x128xf32, #tpu.memory_space<vmem>>, vector<1280x128xf32>
    tpu.vector_store %arg7[%swap3A, %swap3A_33], %dot_general3A_32 {strides = array<i32>} : memref<1280x128xf32, #tpu.memory_space<vmem>>, vector<1280x128xf32>,
    return
  }
  func.func @transform_0(%arg0: i32) -> (i32, i32, i32) {
    %c0_i32 = arith.constant 0 : i32
    %c0_i32_0 = arith.constant 0 : i32
    %c0_i32_1 = arith.constant 0 : i32
    return %c0_i32, %arg0, %c0_i32_0 : i32, i32, i32
  }
  func.func @transform_1(%arg0: i32) -> (i32, i32) {
    %c0_i32 = arith.constant 0 : i32
    %c0_i32_0 = arith.constant 0 : i32
    return %arg0, %c0_i32 : i32, i32
  }
  func.func @transform_2(%arg0: i32) -> (i32, i32) {
    %c0_i32 = arith.constant 0 : i32
    %c0_i32_0 = arith.constant 0 : i32
    return %arg0, %c0_i32 : i32, i32
  }
  func.func @transform_3(%arg0: i32) -> (i32, i32) {
    %c0_i32 = arith.constant 0 : i32
    %c0_i32_0 = arith.constant 0 : i32
    return %arg0, %c0_i32 : i32, i32
  }
  func.func @transform_4(%arg0: i32) -> (i32, i32) {
    %c0_i32 = arith.constant 0 : i32
    %c0_i32_0 = arith.constant 0 : i32
    %c0_i32_1 = arith.constant 0 : i32
    return %c0_i32, %c0_i32_0 : i32, i32
  }
  func.func @transform_5(%arg0: i32) -> (i32, i32) {
    %c0_i32 = arith.constant 0 : i32
    %c0_i32_0 = arith.constant 0 : i32
    %c0_i32_1 = arith.constant 0 : i32
    return %c0_i32, %c0_i32_0 : i32, i32
  }
  func.func @transform_6(%arg0: i32) -> (i32, i32) {
    %c0_i32 = arith.constant 0 : i32
    %c0_i32_0 = arith.constant 0 : i32
    return %arg0, %c0_i32 : i32, i32
  }
}

module attributes {stable_mosaic.version = 14 : i64} {
  func.func @_tc_last_body(%arg0: i32, %arg1: memref<2x1280x128xf32, #tpu.memory_space<vmem>>, %arg2: memref<1280x128xf32, #tpu.memory_space<vmem>>, %arg3: memref<1280x1xf32, #tpu.memory_space<vmem>>, %arg4: memref<1x128xf32, #tpu.memory_space<vmem>>, %arg5: memref<1280x128xf32, #tpu.memory_space<vmem>>) attributes {dimension_semantics = [#tpu.dimension_semantics<arbitrary>], iteration_bounds = array<i64: 8>, scalar_prefetch = 0 : i64, scratch_operands = 0 : i64, tpu.core_type = #tpu.core_type<tc>, window_params = [{transform_indices = @transform_0, window_bounds = array<i64: 2, 1280, 128>}, {transform_indices = @transform_1, window_bounds = array<i64: 1280, 128>}, {transform_indices = @transform_2, window_bounds = array<i64: 1280, 1>}, {pipeline_mode = #tpu.pipeline_mode<synchronous>, transform_indices = @transform_3, window_bounds = array<i64: 1, 128>}, {transform_indices = @transform_4, window_bounds = array<i64: 1280, 128>}]} {
    %get3A = arith.constant 0 : index
    %get3A_0 = arith.constant 0 : index
    %get3A_1 = arith.constant 0 : index
    %get3A_2 = vector.load %arg1[%get3A, %get3A_0, %get3A_1] : memref<2x1280x128xf32, #tpu.memory_space<vmem>>, vector<1x1280x128xf32>
    %get3A_3 = vector.shape_cast %get3A_2 : vector<1x1280x128xf32> to vector<1280x128xf32>
    %get3A_4 = arith.constant 1 : index
    %get3A_5 = arith.constant 0 : index
    %get3A_6 = arith.constant 0 : index
    %get3A_7 = vector.load %arg1[%get3A_4, %get3A_5, %get3A_6] : memref<2x1280x128xf32, #tpu.memory_space<vmem>>, vector<1x1280x128xf32>
    %get3A_8 = vector.shape_cast %get3A_7 : vector<1x1280x128xf32> to vector<1280x128xf32>
    %add3A = arith.addf %get3A_3, %get3A_8 : vector<1280x128xf32>
    %get3A_9 = arith.constant 0 : index
    %get3A_10 = arith.constant 0 : index
    %get3A_11 = vector.load %arg2[%get3A_9, %get3A_10] : memref<1280x128xf32, #tpu.memory_space<vmem>>, vector<1280x128xf32>
    %add3A_12 = arith.addf %add3A, %get3A_11 : vector<1280x128xf32>
    %get3A_13 = arith.constant 0 : index
    %get3A_14 = arith.constant 0 : index
    %get3A_15 = vector.load %arg3[%get3A_13, %get3A_14] : memref<1280x1xf32, #tpu.memory_space<vmem>>, vector<1280x1xf32>
    %mul3A = vector.broadcast %get3A_15 : vector<1280x1xf32> to vector<1280x128xf32>
    %mul3A_16 = arith.mulf %add3A_12, %mul3A : vector<1280x128xf32>
    %get3A_17 = arith.constant 0 : index
    %get3A_18 = arith.constant 0 : index
    %get3A_19 = vector.load %arg4[%get3A_17, %get3A_18] : memref<1x128xf32, #tpu.memory_space<vmem>>, vector<1x128xf32>
    %add3A_20 = vector.broadcast %get3A_19 : vector<1x128xf32> to vector<1280x128xf32>
    %add3A_21 = arith.addf %mul3A_16, %add3A_20 : vector<1280x128xf32>
    %swap3A = arith.constant 0 : index
    %swap3A_22 = arith.constant 0 : index
    %swap3A_23 = vector.load %arg5[%swap3A, %swap3A_22] : memref<1280x128xf32, #tpu.memory_space<vmem>>, vector<1280x128xf32>
    tpu.vector_store %arg5[%swap3A, %swap3A_22], %add3A_21 {strides = array<i32>} : memref<1280x128xf32, #tpu.memory_space<vmem>>, vector<1280x128xf32>,
    return
  }
  func.func @transform_0(%arg0: i32) -> (i32, i32, i32) {
    %c0_i32 = arith.constant 0 : i32
    %c0_i32_0 = arith.constant 0 : i32
    %c0_i32_1 = arith.constant 0 : i32
    return %c0_i32, %arg0, %c0_i32_0 : i32, i32, i32
  }
  func.func @transform_1(%arg0: i32) -> (i32, i32) {
    %c0_i32 = arith.constant 0 : i32
    %c0_i32_0 = arith.constant 0 : i32
    return %arg0, %c0_i32 : i32, i32
  }
  func.func @transform_2(%arg0: i32) -> (i32, i32) {
    %c0_i32 = arith.constant 0 : i32
    %c0_i32_0 = arith.constant 0 : i32
    return %arg0, %c0_i32 : i32, i32
  }
  func.func @transform_3(%arg0: i32) -> (i32, i32) {
    %c0_i32 = arith.constant 0 : i32
    %c0_i32_0 = arith.constant 0 : i32
    %c0_i32_1 = arith.constant 0 : i32
    return %c0_i32, %c0_i32_0 : i32, i32
  }
  func.func @transform_4(%arg0: i32) -> (i32, i32) {
    %c0_i32 = arith.constant 0 : i32
    %c0_i32_0 = arith.constant 0 : i32
    return %arg0, %c0_i32 : i32, i32
  }
}

</mosaic_0001>

<sc_bundles>
// kernel: kernel.12.cloned.1.call-start
scs
__scs_entry_jumppad:
0x0: {  	(pc) =	sbr.rel $0x88, $3  }
0x1: {  	(tag) =	ssettag $0x0;
	lr =	simm.s32 $0x1  }
0x2: {  	[smem:$0x3F99] =	sst lr;
	_ =	strace $0xD0000000  }
0x3: {  	_ = 	snop  }
0x4: {  	_ = 	snop  }
0x5: {  	_ = 	snop  }
0x6: {  	_ = 	snop  }
0x7: {  	_ = 	snop  }
__scs_overlays_trampoline_lowered:
0x8: {  	[smem:$0x3FA8] =	sst s0  }
0x9: {  	[smem:$0x3FA9] =	sst s1  }
0xa: {  	[smem:$0x3FAA] =	sst s2  }
0xb: {  	[smem:$0x3FAB] =	sst s3  }
0xc: {  	[smem:$0x3FAC] =	sst s4  }
0xd: {  	[smem:$0x3FAD] =	sst s5  }
0xe: {  	[smem:$0x3FAE] =	sst s6  }
0xf: {  	[smem:$0x3FAF] =	sst s7  }
0x10: {  	[smem:$0x3FB0] =	sst s8  }
0x11: {  	[smem:$0x3FB1] =	sst s9;
	s0 =	simm.s32 @!p0 $0x0  }
0x12: {  	s1 =	sld [smem:$0x3F97];
	s0 =	simm.s32 @p0 $0x1  }
0x13: {  	[smem:$0x3FB2] =	sst s0;
	s0 =	simm.s32 @!p1 $0x0  }
0x14: {  	s2 =	sld [smem:$0x3F96];
	s0 =	simm.s32 @p1 $0x1  }
0x15: {  	[smem:$0x3FB3] =	sst s0;
	s0 =	simm.s32 @!p2 $0x0  }
0x16: {  	s3 =	sld [smem:$0x3FDB];
	s0 =	simm.s32 @p2 $0x1  }
0x17: {  	s4 =	simm.s32 $0x1BF5;
	[smem:$0x3FB5] =	sst s0  }
0x18: {  	s0 =	sld [smem:$0x3F98];
	_ =	swait.ge [sflag:s4], $0x0  }
0x19: {  	s7 =	sld [smem:$0x3F99]  }
0x1a: {  	s8 =	sadd.s32 $0xFFFFE003, lr  }
0x1b: {  	s9 =	sadd.s32 $0xFFFFFEF7, lr;
	s5 =	simm.s32 $0xFFFFFFFF;
	p2 =	slt.u32 s8, $0xFFFFF086  }
0x1c: {  	p1 =	slt.u32 s9, $0xF7A;
	s5 =	simm.s32 @!p2 $0x0  }
0x1d: {  	s5 =	simm.s32 @p1 $0x1;
	p0 =	seq.s32 s7, s2  }
0x1e: {  	s7 =	smul.u32 @!p0 $0xF7A, s2;
	p2 =	seq.s32 @!p0 s5, $0x0  }
0x1f: {  	s9 =	smul.u32 $0xF7A, s1;
	s8 =	simm.s32 @!p0 $0x1BF5;
	p2 =	por !p2, p0  }
0x20: {  	[sflag:s8] =	ssyncset.s32 @!p0 $0xFFFFF086;
	s6 =	sadd.s32 @!p0 s3, s7;
	s7 =	simm.s32 @!p0 $0x108  }
0x21: {  	s3 =	sadd.s32 s3, s9;
	s6 =	sadd.s32 @!p0 $0x88, s6;
	s7 =	simm.s32 @p2 $0x1082  }
0x22: {  	[simem:s7], [sflag:s8] =	dma.local @!p0 [hbm:s6], $0xF7A  }
0x23: {  	s9 =	sor.u32 $0xD0000000, s2;
	s6 =	simm.s32 $0x108;
	_ =	swait.ge @!p0 [sflag:s8], $0x0  }
0x24: {  	s3 =	sadd.s32 $0x88, s3;
	s6 =	simm.s32 @!p1 $0x1082;
	[sflag:s4] =	ssyncset.s32 $0xFFFFF086  }
0x25: {  	[simem:s6], [sflag:s4] =	dma.local [hbm:s3], $0xF7A  }
0x26: {  	[smem:$0x3F99] =	sst s1;
	(tag) =	ssettag s2;
	_ =	strace s9  }
0x27: {  	s1 =	sld [smem:$0x3FA9]  }
0x28: {  	s2 =	sld [smem:$0x3FAA]  }
0x29: {  	s4 =	sld [smem:$0x3FAC]  }
0x2a: {  	p0 =	seq.s32 s5, $0x0;
	s5 =	sld [smem:$0x3FAD]  }
0x2b: {  	s6 =	sld [smem:$0x3FAE]  }
0x2c: {  	s7 =	sld [smem:$0x3FAF]  }
0x2d: {  	s3 =	simm.s32 $0x108;
	s8 =	sld [smem:$0x3FB0]  }
0x2e: {  	s3 =	simm.s32 @!p0 $0x1082;
	s9 =	sld [smem:$0x3FB1]  }
0x2f: {  	lr =	sadd.s32 s0, s3;
	s0 =	sld [smem:$0x3FA8]  }
0x30: {  	s3 =	sld [smem:$0x3FAB]  }
0x31: {  	[smem:$0x3FB4] =	sst s10  }
0x32: {  	s10 =	sld [smem:$0x3FB2];
	_ =	sdelay $0x3  }
0x33: {  	p0 =	seq.s32 s10, $0x1;
	s10 =	sld [smem:$0x3FB4];
	_ =	sdelay $0x3  }
0x34: {  	[smem:$0x3FB4] =	sst s10  }
0x35: {  	s10 =	sld [smem:$0x3FB3];
	_ =	sdelay $0x3  }
0x36: {  	p1 =	seq.s32 s10, $0x1;
	s10 =	sld [smem:$0x3FB4];
	_ =	sdelay $0x3  }
0x37: {  	[smem:$0x3FB4] =	sst s10  }
0x38: {  	s10 =	sld [smem:$0x3FB5]  }
0x39: {  	_ = 	snop;
	(pc) =	sbr.ind lr, $3  }
0x3a: {  	_ = 	snop  }
0x3b: {  	_ = 	snop  }
0x3c: {  	p2 =	seq.s32 s10, $0x1;
	s10 =	sld [smem:$0x3FB4]  }
0x3d: {  	_ =	shalt  }
0x3e: {  	_ =	shalt  }
0x3f: {  	_ =	shalt  }
0x40: {  	_ =	shalt  }
0x41: {  	_ =	shalt  }
0x42: {  	_ =	shalt  }
0x43: {  	_ =	shalt  }
0x44: {  	_ =	shalt  }
0x45: {  	_ =	shalt  }
0x46: {  	_ =	shalt  }
0x47: {  	_ =	shalt  }
0x48: {  	_ =	shalt  }
0x49: {  	_ =	shalt  }
0x4a: {  	_ =	shalt  }
0x4b: {  	_ =	shalt  }
0x4c: {  	_ =	shalt  }
0x4d: {  	_ =	shalt  }
0x4e: {  	_ =	shalt  }
0x4f: {  	_ =	shalt  }
0x50: {  	_ =	shalt  }
0x51: {  	_ =	shalt  }
0x52: {  	_ =	shalt  }
0x53: {  	_ =	shalt  }
0x54: {  	_ =	shalt  }
0x55: {  	_ =	shalt  }
0x56: {  	_ =	shalt  }
0x57: {  	_ =	shalt  }
0x58: {  	_ =	shalt  }
0x59: {  	_ =	shalt  }
0x5a: {  	_ =	shalt  }
0x5b: {  	_ =	shalt  }
0x5c: {  	_ =	shalt  }
0x5d: {  	_ =	shalt  }
0x5e: {  	_ =	shalt  }
0x5f: {  	_ =	shalt  }
0x60: {  	_ =	shalt  }
0x61: {  	_ =	shalt  }
0x62: {  	_ =	shalt  }
0x63: {  	_ =	shalt  }
0x64: {  	_ =	shalt  }
0x65: {  	_ =	shalt  }
0x66: {  	_ =	shalt  }
0x67: {  	_ =	shalt  }
0x68: {  	_ =	shalt  }
0x69: {  	_ =	shalt  }
0x6a: {  	_ =	shalt  }
0x6b: {  	_ =	shalt  }
0x6c: {  	_ =	shalt  }
0x6d: {  	_ =	shalt  }
0x6e: {  	_ =	shalt  }
0x6f: {  	_ =	shalt  }
0x70: {  	_ =	shalt  }
0x71: {  	_ =	shalt  }
0x72: {  	_ =	shalt  }
0x73: {  	_ =	shalt  }
0x74: {  	_ =	shalt  }
0x75: {  	_ =	shalt  }
0x76: {  	_ =	shalt  }
0x77: {  	_ =	shalt  }
0x78: {  	_ =	shalt  }
0x79: {  	_ =	shalt  }
0x7a: {  	_ =	shalt  }
0x7b: {  	_ =	shalt  }
0x7c: {  	_ =	shalt  }
0x7d: {  	_ =	shalt  }
0x7e: {  	_ =	shalt  }
0x7f: {  	_ =	shalt  }
0x80: {  	_ =	shalt  }
0x81: {  	_ =	shalt  }
0x82: {  	_ =	shalt  }
0x83: {  	_ =	shalt  }
0x84: {  	_ =	shalt  }
0x85: {  	_ =	shalt  }
0x86: {  	_ =	shalt  }
0x87: {  	_ =	shalt  }
.Lfunc_end0:
.L_simem_size_0:
called_computation_lowered:
.L_overlay_start_0:
0x88: {  	s2 =	sld [smem:$0x3FD9]  }
0x89: {  	s3 =	sld [smem:$0x3FFE];
	_ =	sdelay $0x1  }
0x8a: {  	s1 =	srdreg.scid  }
0x8b: {  	s0 =	sand.u32 $0x1, s1  }
0x8c: {  	s17 =	sshll.u32 s0, $0xA;
	s2 =	sadd.s32 s3, s2  }
0x8d: {  	s2 =	sadd.s32 s2, s17  }
0x8e: {  	[smem:$0x3FC0] =	sst s2  }
0x8f: {  	_ = 	snop  }
0x90: {  	s2 =	sld [smem:$0x3FD0];
	(tm) =	ssettm $0x1  }
0x91: {  	s18 =	sld [smem:$0x3FFB];
	_ =	sdelay $0x3  }
0x92: {  	_ =	strace s18  }
0x93: {  	s3 =	sld [smem:$0x3FFC];
	_ =	sdelay $0x3  }
0x94: {  	_ =	strace s3  }
0x95: {  	s3 =	sld [smem:$0x3FFD];
	_ =	sdelay $0x3  }
0x96: {  	_ =	strace s3  }
0x97: {  	_ =	strace $0x8FFFFFFF  }
0x98: {  	s19 =	sld [smem:$0x3FDB];
	_ =	sdelay $0x1  }
0x99: {  	s4 =	simm.s32 $_scs_section_size  }
0x9a: {  	s5 =	simm.s32 $_size__tile_overlayer_lowered;
	s6 =	simm.s32 $_tile_overlayer_lowered  }
0x9b: {  	s22 =	simm.s32 $0x1BFF;
	s21 =	sshll.u32 s6, $0x1;
	s3 =	sadd.s32 s4, s19  }
0x9c: {  	s7 =	simm.s32 $0x0;
	s20 =	sshll.u32 s5, $0x1;
	s5 =	sadd.s32 s21, s3  }
0x9d: {  	[timem:s7], [sflag:s22] =	dma.local [hbm:s5], s20  }
0x9e: {  	_ =	swait.ge [sflag:s22], s20  }
0x9f: {  	s4 =	ssub.s32 $0x0, s20;
	[sflag:s22] =	ssyncset.done $0x0  }
0xa0: {  	[sflag:s22] =	ssyncadd.s32 s4;
	_ =	sdelay $0x1  }
0xa1: {  	s23 =	simm.s32 $0x1B8B  }
0xa2: {  	_ =	swait.ge [sflag:s23], $0x1  }
0xa3: {  	[sflag:s23] =	ssyncset.done $0x0  }
0xa4: {  	s25 =	simm.s32 $0x1B8E;
	s24 =	sld [smem:$0x3FFE];
	[sflag:s23] =	ssyncadd.s32 $0xFFFFFFFF  }
0xa5: {  	s26 =	simm.s32 $execute0_lowered;
	[smem:$0x3FD2] =	sst s25  }
0xa6: {  	s5 =	sshll.u32 s26, $0x1;
	_ =	strace $0x80000046;
	[dreg:$0x1] =	wrdreg $0xFFFFFFFF  }
0xa7: {  	s28 =	simm.s32 $_size_execute0_lowered;
	s3 =	sadd.s32 s3, s5;
	[dreg:$0x0] =	wrdreg $0x0  }
0xa8: {  	s5 =	sshll.u32 s28, $0x1;
	[dreg:$0x2] =	wrdreg s3  }
0xa9: {  	[dreg:$0x3] =	wrdreg s5  }
0xaa: {  	[dreg:$0x4] =	wrdreg $0xC0  }
0xab: {  	_ =	task [dreg:s7], $0x5FFFF  }
0xac: {  	[dreg:$0x1] =	wrdreg $0xFFFFFFFF  }
0xad: {  	[dreg:$0x0] =	wrdreg $0x60  }
0xae: {  	[dreg:$0x2] =	wrdreg s2  }
0xaf: {  	[dreg:$0x3] =	wrdreg s24  }
0xb0: {  	[dreg:$0x4] =	wrdreg $0x1800  }
0xb1: {  	[dreg:$0x5] =	wrdreg $0x4000  }
0xb2: {  	[dreg:$0x6] =	wrdreg $0x9  }
0xb3: {  	_ =	task.clear_ibuf [dreg:s7], $0x7FFFF;
	_ =	strace $0x90000046  }
0xb4: {  	s29 =	simm.s32 $0x9;
	_ =	strace $0x80000048  }
0xb5: {  	_ =	swait.ge [sflag:s29], $0x1  }
0xb6: {  	[sflag:s29] =	ssyncadd.s32 $0xFFFFFFFF  }
0xb7: {  	_ =	strace $0x90000048  }
0xb8: {  	_ =	sfence  }
0xb9: {  	s30 =	sld [smem:$0x0];
	_ =	sdelay $0x2  }
0xba: {  	s31 =	sshll.u32 s1, $0xD;
	s1 =	sshrl.u32 s1, $0x2  }
0xbb: {  	s3 =	sand.u32 $0x4000, s31;
	s1 =	sadd.s32 s1, s30  }
0xbc: {  	s0 =	sor.u32 s3, s0;
	s1 =	sshll.u32 s1, $0x11  }
0xbd: {  	s0 =	sor.u32 s1, s0  }
0xbe: {  	s0 =	sadd.s32 $0x8F2B, s0  }
0xbf: {  	[sflag:s0] =	ssyncadd.remote.s32 $0x1  }
0xc0: {  	_ =	sfence.sel $0xFFFF  }
0xc1: {  	[dreg:$0x0] =	wrdreg $0xFFFFFFFF;
	(pc) =	sbr.abs _section_cstart, $3  }
0xc2: {  	[dreg:$0x1] =	wrdreg $0xFFFFFFFF  }
0xc3: {  	_ =	task.clear_ibuf [dreg:s7], $0x2FFFF;
	_ =	strace $0x9FFFFFFF  }
0xc4: {  	(tm) =	ssettm $0x7FFFFFFF  }
0xc5: {  	_ =	shalt  }
tec
execute0_lowered:
.L_overlay_start_1:
0x0: {  	(tag) =	ssettag $0x1  }
0x1: {  	s1 =	rddreg [dreg:$0x0]  }
0x2: {  	s0 =	rddreg [dreg:$0x1]  }
0x3: {  	s2 =	rddreg [dreg:$0x2]  }
0x4: {  	s4 =	rddreg [dreg:$0x3]  }
0x5: {  	s5 =	simm.s32 $0x0;
	s3 =	srdreg.scid;
	s11 =	stileid.u32  }
0x6: {  	s28 =	simm.s32 $0x1;
	s29 =	simm.s32 $0x80;
	s30 =	simm.s32 $0x100  }
0x7: {  	s31 =	simm.s32 $0x20;
	[smem:$0x7FF] =	sst s5;
	s3 =	sand.u32 $0x1, s3  }
0x8: {  	s8 =	smul.u32 $0x500, s11;
	s6 =	sadd.s32 $0x3800, s0;
	s7 =	sadd.s32 $0xD800, s0  }
0x9: {  	s14 =	smul.u32 $0x280, s11;
	s24 =	sshll.u32 s11, $0x6;
	_ =	strace $0x80000047  }
0xa: {  	s9 =	sshll.u32 s3, $0x7;
	s22 =	ssub.s32 $0x2, s3;
	s3 =	sshll.u32 s3, $0x4  }
0xb: {  	s8 =	sor.u32 s9, s8;
	s10 =	sshrl.u32 s22, $0x1;
	s3 =	sor.u32 s11, s3  }
0xc: {  	s23 =	sadd.s32 s14, s2;
	s9 =	sor.u32 $0x1C01, s24;
	s25 =	sadd.s32 s14, s4  }
0xd: {  	s12 =	sadd.s32 $0x80, s14;
	s11 =	sadd.s32 $0xD810, s0;
	s13 =	sadd.s32 $0x100, s14  }
0xe: {  	s15 =	sadd.s32 $0x180, s14;
	s26 =	sadd.s32 $0x200, s14;
	s14 =	sadd.s32 $0xD840, s0  }
0xf: {  	s8 =	sshrl.u32 s8, $0x3;
	s10 =	ssub.s32 s22, s10;
	[dreg:$0x5] =	wrdreg s23  }
0x10: {  	[dreg:$0x6] =	wrdreg s25;
	s16 =	sadd.s32 s12, s2;
	s17 =	sadd.s32 s12, s4  }
0x11: {  	s21 =	sadd.s32 s13, s2;
	s12 =	sadd.s32 $0xD820, s0;
	s22 =	sadd.s32 s13, s4  }
0x12: {  	s23 =	sadd.s32 s15, s2;
	s13 =	sadd.s32 $0xD830, s0;
	s24 =	sadd.s32 s15, s4  }
0x13: {  	s25 =	sadd.s32 s26, s2;
	s15 =	smul.u32 $0x2800, s3;
	s3 =	simm.s32 $0x0  }
0x14: {  	s8 =	sadd.s32 s8, s0;
	s0 =	sadd.s32 s26, s4;
	s20 =	smax.u32 s10, $0x1  }
0x15: {  	s26 =	sshrl.u32 s16, $0x3;
	s21 =	sshrl.u32 s21, $0x3;
	s22 =	sshrl.u32 s22, $0x3  }
0x16: {  	s23 =	sshrl.u32 s23, $0x3;
	s24 =	sshrl.u32 s24, $0x3;
	[dreg:$0x9] =	wrdreg s20  }
0x17: {  	s25 =	sshrl.u32 s25, $0x3;
	s18 =	sadd.s32 $0x36200, s8;
	[dreg:$0xa] =	wrdreg s26  }
0x18: {  	s19 =	sadd.s32 $0x35800, s8;
	s20 =	sshrl.u32 s17, $0x3;
	[dreg:$0x7] =	wrdreg s18  }
0x19: {  	v0 =	vimm.f32 $1.000000000e+00;
	s26 =	sshrl.u32 s0, $0x3;
	s0 =	simm.s32 $0x10;
	[dreg:$0x8] =	wrdreg s19  }
.LBB2_1:
0x1a: {  	[tilespmem:$0x100] =	vst v0  }
0x1b: {  	[tilespmem:$0x110] =	vst v0  }
0x1c: {  	[tilespmem:$0x120] =	vst v0  }
0x1d: {  	[tilespmem:$0x130] =	vst v0  }
0x1e: {  	[tilespmem:$0x140] =	vst v0  }
0x1f: {  	[tilespmem:$0x150] =	vst v0  }
0x20: {  	[tilespmem:$0x160] =	vst v0;
	s8 =	rddreg [dreg:$0x5]  }
0x21: {  	[tilespmem:$0x170] =	vst v0;
	s8 =	sshrl.u32 s8, $0x3  }
0x22: {  	[spmem:s8], [sflag:s9] =	dma.local [hbm:s7], $0x10  }
0x23: {  	_ =	swait.ge [sflag:s28], $0x10  }
0x24: {  	[sflag:s28] =	ssyncset.done $0x0;
	s10 =	rddreg [dreg:$0x6]  }
0x25: {  	[sflag:s28] =	ssyncadd.s32 $0xFFFFFFF0;
	s10 =	sshrl.u32 s10, $0x3  }
0x26: {  	[spmem:s10], [sflag:s9] =	dma.local [hbm:s7], $0x10  }
0x27: {  	_ =	swait.ge [sflag:s28], $0x10  }
0x28: {  	[sflag:s28] =	ssyncset.done $0x0  }
0x29: {  	s16 =	rddreg [dreg:$0xa];
	[sflag:s28] =	ssyncadd.s32 $0xFFFFFFF0  }
0x2a: {  	[spmem:s16], [sflag:s9] =	dma.local [hbm:s11], $0x10  }
0x2b: {  	_ =	swait.ge [sflag:s28], $0x10  }
0x2c: {  	[sflag:s28] =	ssyncset.done $0x0  }
0x2d: {  	[sflag:s28] =	ssyncadd.s32 $0xFFFFFFF0  }
0x2e: {  	[spmem:s20], [sflag:s9] =	dma.local [hbm:s11], $0x10  }
0x2f: {  	_ =	swait.ge [sflag:s28], $0x10  }
0x30: {  	[sflag:s28] =	ssyncset.done $0x0  }
0x31: {  	[sflag:s28] =	ssyncadd.s32 $0xFFFFFFF0  }
0x32: {  	[spmem:s21], [sflag:s9] =	dma.local [hbm:s12], $0x10  }
0x33: {  	_ =	swait.ge [sflag:s28], $0x10  }
0x34: {  	[sflag:s28] =	ssyncset.done $0x0  }
0x35: {  	[sflag:s28] =	ssyncadd.s32 $0xFFFFFFF0  }
0x36: {  	[spmem:s22], [sflag:s9] =	dma.local [hbm:s12], $0x10  }
0x37: {  	_ =	swait.ge [sflag:s28], $0x10  }
0x38: {  	[sflag:s28] =	ssyncset.done $0x0  }
0x39: {  	[sflag:s28] =	ssyncadd.s32 $0xFFFFFFF0  }
0x3a: {  	[spmem:s23], [sflag:s9] =	dma.local [hbm:s13], $0x10  }
0x3b: {  	_ =	swait.ge [sflag:s28], $0x10  }
0x3c: {  	[sflag:s28] =	ssyncset.done $0x0  }
0x3d: {  	[sflag:s28] =	ssyncadd.s32 $0xFFFFFFF0  }
0x3e: {  	[spmem:s24], [sflag:s9] =	dma.local [hbm:s13], $0x10  }
0x3f: {  	_ =	swait.ge [sflag:s28], $0x10  }
0x40: {  	[sflag:s28] =	ssyncset.done $0x0  }
0x41: {  	[sflag:s28] =	ssyncadd.s32 $0xFFFFFFF0  }
0x42: {  	[spmem:s25], [sflag:s9] =	dma.local [hbm:s14], $0x10  }
0x43: {  	_ =	swait.ge [sflag:s28], $0x10  }
0x44: {  	[sflag:s28] =	ssyncset.done $0x0  }
0x45: {  	s18 =	sand.u32 $0x3C00, s5;
	[sflag:s28] =	ssyncadd.s32 $0xFFFFFFF0  }
0x46: {  	[spmem:s26], [sflag:s9] =	dma.local [hbm:s14], $0x10  }
0x47: {  	s17 =	sand.u32 $0x380, s5;
	s16 =	sadd.s32 s15, s18;
	_ =	swait.ge [sflag:s28], $0x10  }
0x48: {  	s16 =	sor.u32 s17, s16;
	[sflag:s28] =	ssyncset.done $0x0  }
0x49: {  	s16 =	sshrl.u32 s16, $0x3;
	[sflag:s28] =	ssyncadd.s32 $0xFFFFFFF0  }
0x4a: {  	s19 =	sadd.s32 s1, s16;
	[bflag:$0x0] =	sbarrier.arrive $0xFFFF  }
0x4b: {  	[tilespmem:s5], [sflag:$0x1] =	stream.linear.gather [hbm4b:s19+s5], $0x80, $0x38;
	[tilespmem:$0x680] =	vst v63  }
0x4c: {  	_ =	swait.ge [sflag:s28], $0x80  }
0x4d: {  	[sflag:s28] =	ssyncset.done $0x0  }
0x4e: {  	s16 =	sadd.s32 s6, s16;
	[sflag:s28] =	ssyncadd.s32 $0xFFFFFF80  }
0x4f: {  	[tilespmem:s29], [sflag:$0x1] =	stream.linear.gather [hbm4b:s16+s5], $0x80, $0x38;
	[tilespmem:$0x680] =	vst v63  }
0x50: {  	_ =	swait.ge [sflag:s28], $0x80  }
0x51: {  	[sflag:s28] =	ssyncset.done $0x0  }
0x52: {  	[sflag:s28] =	ssyncadd.s32 $0xFFFFFF80  }
0x53: {  	[spmem:s2] =	stream.indirect.scatter.add.f32 [tilespmem:s30], [sflag:$0x1], $0x1, s5, s29, $0xb8;
	[tilespmem:$0x680] =	vst v63  }
0x54: {  	_ =	swait.ge [sflag:s28], $0x80  }
0x55: {  	s18 =	simm.s32 $0x80;
	[sflag:s28] =	ssyncset.done $0x0  }
0x56: {  	s19 =	sand.u32 $0x3C00, s18;
	[sflag:s28] =	ssyncadd.s32 $0xFFFFFF80  }
0x57: {  	[spmem:s4] =	stream.indirect.scatter.add.f32 [tilespmem:s30], [sflag:$0x1], $0x1, s29, s29, $0xb8;
	[tilespmem:$0x680] =	vst v63  }
0x58: {  	s17 =	sadd.s32 s15, s19;
	s16 =	sand.u32 $0x380, s18;
	_ =	swait.ge [sflag:s28], $0x80  }
0x59: {  	s17 =	sor.u32 s16, s17;
	s16 =	simm.s32 $0x100;
	[sflag:s28] =	ssyncset.done $0x0  }
.LBB2_2:
0x5a: {  	s17 =	sshrl.u32 s17, $0x3  }
0x5b: {  	[sflag:s28] =	ssyncadd.s32 $0xFFFFFF80;
	s18 =	smov.u32 s16;
	s19 =	sadd.s32 $0x80, s16  }
0x5c: {  	p0 =	sne.s32 s16, $0x2700;
	s16 =	sadd.s32 s1, s17  }
0x5d: {  	[tilespmem:s5], [sflag:$0x1] =	stream.linear.gather [hbm4b:s16+s5], $0x80, $0x38;
	[tilespmem:$0x680] =	vst v63  }
0x5e: {  	_ =	swait.ge [sflag:s28], $0x80  }
0x5f: {  	[sflag:s28] =	ssyncset.done $0x0  }
0x60: {  	s16 =	sadd.s32 s6, s17;
	[sflag:s28] =	ssyncadd.s32 $0xFFFFFF80  }
0x61: {  	[tilespmem:s29], [sflag:$0x1] =	stream.linear.gather [hbm4b:s16+s5], $0x80, $0x38;
	[tilespmem:$0x680] =	vst v63  }
0x62: {  	_ =	swait.ge [sflag:s28], $0x80  }
0x63: {  	[sflag:s28] =	ssyncset.done $0x0  }
0x64: {  	[sflag:s28] =	ssyncadd.s32 $0xFFFFFF80  }
0x65: {  	[spmem:s2] =	stream.indirect.scatter.add.f32 [tilespmem:s30], [sflag:$0x1], $0x1, s5, s29, $0xb8;
	[tilespmem:$0x680] =	vst v63  }
0x66: {  	_ =	swait.ge [sflag:s28], $0x80  }
.Ltmp0:
0x67: {  	[sflag:s28] =	ssyncset.done $0x0;
	(pc) =	sbr.rel @p0 .LBB2_2-.Ltmp0, $4  }
0x68: {  	s16 =	sand.u32 $0x3C00, s18;
	[sflag:s28] =	ssyncadd.s32 $0xFFFFFF80  }
0x69: {  	[spmem:s4] =	stream.indirect.scatter.add.f32 [tilespmem:s30], [sflag:$0x1], $0x1, s29, s29, $0xb8;
	[tilespmem:$0x680] =	vst v63  }
0x6a: {  	s17 =	sand.u32 $0x380, s18;
	s16 =	sadd.s32 s15, s16;
	_ =	swait.ge [sflag:s28], $0x80  }
0x6b: {  	s17 =	sor.u32 s17, s16;
	s16 =	smov.u32 s19;
	[sflag:s28] =	ssyncset.done $0x0  }
0x6c: {  	s16 =	sshrl.u32 s17, $0x3  }
0x6d: {  	[sflag:s28] =	ssyncadd.s32 $0xFFFFFF80;
	s17 =	sadd.s32 s1, s16  }
0x6e: {  	[tilespmem:s5], [sflag:$0x1] =	stream.linear.gather [hbm4b:s17+s5], $0x80, $0x38;
	[tilespmem:$0x680] =	vst v63  }
0x6f: {  	_ =	swait.ge [sflag:s28], $0x80  }
0x70: {  	[sflag:s28] =	ssyncset.done $0x0  }
0x71: {  	s16 =	sadd.s32 s6, s16;
	[sflag:s28] =	ssyncadd.s32 $0xFFFFFF80  }
0x72: {  	[tilespmem:s29], [sflag:$0x1] =	stream.linear.gather [hbm4b:s16+s5], $0x80, $0x38;
	[tilespmem:$0x680] =	vst v63  }
0x73: {  	_ =	swait.ge [sflag:s28], $0x80  }
0x74: {  	[sflag:s28] =	ssyncset.done $0x0  }
0x75: {  	[sflag:s28] =	ssyncadd.s32 $0xFFFFFF80  }
0x76: {  	[spmem:s2] =	stream.indirect.scatter.add.f32 [tilespmem:s30], [sflag:$0x1], $0x1, s5, s29, $0xb8;
	[tilespmem:$0x680] =	vst v63  }
0x77: {  	_ =	swait.ge [sflag:s28], $0x80  }
0x78: {  	[sflag:s28] =	ssyncset.done $0x0  }
0x79: {  	[sflag:s28] =	ssyncadd.s32 $0xFFFFFF80  }
0x7a: {  	[spmem:s4] =	stream.indirect.scatter.add.f32 [tilespmem:s30], [sflag:$0x1], $0x1, s29, s29, $0xb8;
	[tilespmem:$0x680] =	vst v63  }
0x7b: {  	_ =	swait.ge [sflag:s28], $0x80  }
0x7c: {  	[sflag:s28] =	ssyncset.done $0x0  }
0x7d: {  	[sflag:s28] =	ssyncadd.s32 $0xFFFFFF80  }
0x7e: {  	[bflag:$0x0] =	sbarrier.arrive $0xFFFF  }
0x7f: {  	s17 =	rddreg [dreg:$0x7]  }
0x80: {  	[hbm:s17@s31], [sflag:s9] =	dma.strided [spmem:s8@s0], $0x50, s28, $0x10   }
0x81: {  	_ =	swait.ge [sflag:s28], $0x50  }
0x82: {  	[sflag:s28] =	ssyncset.done $0x0  }
0x83: {  	s18 =	rddreg [dreg:$0x8];
	[sflag:s28] =	ssyncadd.s32 $0xFFFFFFB0  }
0x84: {  	[hbm:s18@s31], [sflag:s9] =	dma.strided [spmem:s10@s0], $0x50, s28, $0x10   }
0x85: {  	_ =	swait.ge [sflag:s28], $0x50  }
0x86: {  	s3 =	sadd.s32 $0x1, s3;
	s19 =	rddreg [dreg:$0x9]  }
0x87: {  	p0 =	sne.s32 s3, s19  }
.Ltmp1:
0x88: {  	_ = 	snop;
	(pc) =	sbr.rel @p0 .LBB2_1-.Ltmp1, $3  }
0x89: {  	_ =	sdelay $0x1  }
0x8a: {  	[sflag:s28] =	ssyncset.done $0x0  }
0x8b: {  	[sflag:s28] =	ssyncadd.s32 $0xFFFFFFB0  }
0x8c: {  	_ =	sfence.sel $0x180000  }
0x8d: {  	[bflag:$0x0] =	sbarrier.arrive $0xFFFF  }
0x8e: {  	_ =	strace $0x90000047  }
0x8f: {  	s0 =	stileid.u32;
	[bflag:$0x2] =	sbarrier.arrive $0xFFFF  }
0x90: {  	p0 =	sne.s32 s0, $0x0;
	s0 =	rddreg [dreg:$0x4]  }
0x91: {  	s0 =	sadd.s32 @!p0 $0x100000, s0  }
0x92: {  	[sflag:s0] =	ssyncadd.tile.s32 @!p0 $0x1;
	_ =	shalt  }
.Lfunc_end2:
_tile_overlayer_lowered:
.L_overlay_start_2:
0x93: {  	(tag) =	ssettag $0x2  }
0x94: {  	s0 =	rddreg [dreg:$0x0];
	s2 =	stileid.u32  }
0x95: {  	s1 =	rddreg [dreg:$0x1];
	p0 =	sne.s32 s2, $0x0  }
0x96: {  	s3 =	rddreg [dreg:$0x2];
	[bflag:$0x3] =	sbarrier.arrive $0xFFFF;
	s2 =	simm.s32 @!p0 $0x1C01  }
0x97: {  	[timem:s3], [sflag:s2] =	dma.local @!p0 [hbm:s0], s1  }
0x98: {  	s0 =	simm.s32 @!p0 $0x1  }
0x99: {  	_ =	swait.ge @!p0 [sflag:s0], s1  }
0x9a: {  	s1 =	ssub.s32 @!p0 $0x0, s1;
	[sflag:s0] =	ssyncset.done @!p0 $0x0  }
0x9b: {  	[sflag:s0] =	ssyncadd.s32 @!p0 s1  }
0x9c: {  	[bflag:$0x3] =	sbarrier.arrive $0xFFFF  }
0x9d: {  	_ =	shalt  }

// kernel: kernel.15.cloned.1.call-start
scs
__scs_entry_jumppad:
0x0: {  	(pc) =	sbr.rel $0x88, $3  }
0x1: {  	(tag) =	ssettag $0x0;
	lr =	simm.s32 $0x1  }
0x2: {  	[smem:$0x3F99] =	sst lr;
	_ =	strace $0xD0000000  }
0x3: {  	_ = 	snop  }
0x4: {  	_ = 	snop  }
0x5: {  	_ = 	snop  }
0x6: {  	_ = 	snop  }
0x7: {  	_ = 	snop  }
__scs_overlays_trampoline_lowered:
0x8: {  	[smem:$0x3FA8] =	sst s0  }
0x9: {  	[smem:$0x3FA9] =	sst s1  }
0xa: {  	[smem:$0x3FAA] =	sst s2  }
0xb: {  	[smem:$0x3FAB] =	sst s3  }
0xc: {  	[smem:$0x3FAC] =	sst s4  }
0xd: {  	[smem:$0x3FAD] =	sst s5  }
0xe: {  	[smem:$0x3FAE] =	sst s6  }
0xf: {  	[smem:$0x3FAF] =	sst s7  }
0x10: {  	[smem:$0x3FB0] =	sst s8  }
0x11: {  	[smem:$0x3FB1] =	sst s9;
	s0 =	simm.s32 @!p0 $0x0  }
0x12: {  	s1 =	sld [smem:$0x3F97];
	s0 =	simm.s32 @p0 $0x1  }
0x13: {  	[smem:$0x3FB2] =	sst s0;
	s0 =	simm.s32 @!p1 $0x0  }
0x14: {  	s2 =	sld [smem:$0x3F96];
	s0 =	simm.s32 @p1 $0x1  }
0x15: {  	[smem:$0x3FB3] =	sst s0;
	s0 =	simm.s32 @!p2 $0x0  }
0x16: {  	s3 =	sld [smem:$0x3FDB];
	s0 =	simm.s32 @p2 $0x1  }
0x17: {  	s4 =	simm.s32 $0x1BF5;
	[smem:$0x3FB5] =	sst s0  }
0x18: {  	s0 =	sld [smem:$0x3F98];
	_ =	swait.ge [sflag:s4], $0x0  }
0x19: {  	s7 =	sld [smem:$0x3F99]  }
0x1a: {  	s8 =	sadd.s32 $0xFFFFE003, lr  }
0x1b: {  	s9 =	sadd.s32 $0xFFFFFEF7, lr;
	s5 =	simm.s32 $0xFFFFFFFF;
	p2 =	slt.u32 s8, $0xFFFFF086  }
0x1c: {  	p1 =	slt.u32 s9, $0xF7A;
	s5 =	simm.s32 @!p2 $0x0  }
0x1d: {  	s5 =	simm.s32 @p1 $0x1;
	p0 =	seq.s32 s7, s2  }
0x1e: {  	s7 =	smul.u32 @!p0 $0xF7A, s2;
	p2 =	seq.s32 @!p0 s5, $0x0  }
0x1f: {  	s9 =	smul.u32 $0xF7A, s1;
	s8 =	simm.s32 @!p0 $0x1BF5;
	p2 =	por !p2, p0  }
0x20: {  	[sflag:s8] =	ssyncset.s32 @!p0 $0xFFFFF086;
	s6 =	sadd.s32 @!p0 s3, s7;
	s7 =	simm.s32 @!p0 $0x108  }
0x21: {  	s3 =	sadd.s32 s3, s9;
	s6 =	sadd.s32 @!p0 $0x88, s6;
	s7 =	simm.s32 @p2 $0x1082  }
0x22: {  	[simem:s7], [sflag:s8] =	dma.local @!p0 [hbm:s6], $0xF7A  }
0x23: {  	s9 =	sor.u32 $0xD0000000, s2;
	s6 =	simm.s32 $0x108;
	_ =	swait.ge @!p0 [sflag:s8], $0x0  }
0x24: {  	s3 =	sadd.s32 $0x88, s3;
	s6 =	simm.s32 @!p1 $0x1082;
	[sflag:s4] =	ssyncset.s32 $0xFFFFF086  }
0x25: {  	[simem:s6], [sflag:s4] =	dma.local [hbm:s3], $0xF7A  }
0x26: {  	[smem:$0x3F99] =	sst s1;
	(tag) =	ssettag s2;
	_ =	strace s9  }
0x27: {  	s1 =	sld [smem:$0x3FA9]  }
0x28: {  	s2 =	sld [smem:$0x3FAA]  }
0x29: {  	s4 =	sld [smem:$0x3FAC]  }
0x2a: {  	p0 =	seq.s32 s5, $0x0;
	s5 =	sld [smem:$0x3FAD]  }
0x2b: {  	s6 =	sld [smem:$0x3FAE]  }
0x2c: {  	s7 =	sld [smem:$0x3FAF]  }
0x2d: {  	s3 =	simm.s32 $0x108;
	s8 =	sld [smem:$0x3FB0]  }
0x2e: {  	s3 =	simm.s32 @!p0 $0x1082;
	s9 =	sld [smem:$0x3FB1]  }
0x2f: {  	lr =	sadd.s32 s0, s3;
	s0 =	sld [smem:$0x3FA8]  }
0x30: {  	s3 =	sld [smem:$0x3FAB]  }
0x31: {  	[smem:$0x3FB4] =	sst s10  }
0x32: {  	s10 =	sld [smem:$0x3FB2];
	_ =	sdelay $0x3  }
0x33: {  	p0 =	seq.s32 s10, $0x1;
	s10 =	sld [smem:$0x3FB4];
	_ =	sdelay $0x3  }
0x34: {  	[smem:$0x3FB4] =	sst s10  }
0x35: {  	s10 =	sld [smem:$0x3FB3];
	_ =	sdelay $0x3  }
0x36: {  	p1 =	seq.s32 s10, $0x1;
	s10 =	sld [smem:$0x3FB4];
	_ =	sdelay $0x3  }
0x37: {  	[smem:$0x3FB4] =	sst s10  }
0x38: {  	s10 =	sld [smem:$0x3FB5]  }
0x39: {  	_ = 	snop;
	(pc) =	sbr.ind lr, $3  }
0x3a: {  	_ = 	snop  }
0x3b: {  	_ = 	snop  }
0x3c: {  	p2 =	seq.s32 s10, $0x1;
	s10 =	sld [smem:$0x3FB4]  }
0x3d: {  	_ =	shalt  }
0x3e: {  	_ =	shalt  }
0x3f: {  	_ =	shalt  }
0x40: {  	_ =	shalt  }
0x41: {  	_ =	shalt  }
0x42: {  	_ =	shalt  }
0x43: {  	_ =	shalt  }
0x44: {  	_ =	shalt  }
0x45: {  	_ =	shalt  }
0x46: {  	_ =	shalt  }
0x47: {  	_ =	shalt  }
0x48: {  	_ =	shalt  }
0x49: {  	_ =	shalt  }
0x4a: {  	_ =	shalt  }
0x4b: {  	_ =	shalt  }
0x4c: {  	_ =	shalt  }
0x4d: {  	_ =	shalt  }
0x4e: {  	_ =	shalt  }
0x4f: {  	_ =	shalt  }
0x50: {  	_ =	shalt  }
0x51: {  	_ =	shalt  }
0x52: {  	_ =	shalt  }
0x53: {  	_ =	shalt  }
0x54: {  	_ =	shalt  }
0x55: {  	_ =	shalt  }
0x56: {  	_ =	shalt  }
0x57: {  	_ =	shalt  }
0x58: {  	_ =	shalt  }
0x59: {  	_ =	shalt  }
0x5a: {  	_ =	shalt  }
0x5b: {  	_ =	shalt  }
0x5c: {  	_ =	shalt  }
0x5d: {  	_ =	shalt  }
0x5e: {  	_ =	shalt  }
0x5f: {  	_ =	shalt  }
0x60: {  	_ =	shalt  }
0x61: {  	_ =	shalt  }
0x62: {  	_ =	shalt  }
0x63: {  	_ =	shalt  }
0x64: {  	_ =	shalt  }
0x65: {  	_ =	shalt  }
0x66: {  	_ =	shalt  }
0x67: {  	_ =	shalt  }
0x68: {  	_ =	shalt  }
0x69: {  	_ =	shalt  }
0x6a: {  	_ =	shalt  }
0x6b: {  	_ =	shalt  }
0x6c: {  	_ =	shalt  }
0x6d: {  	_ =	shalt  }
0x6e: {  	_ =	shalt  }
0x6f: {  	_ =	shalt  }
0x70: {  	_ =	shalt  }
0x71: {  	_ =	shalt  }
0x72: {  	_ =	shalt  }
0x73: {  	_ =	shalt  }
0x74: {  	_ =	shalt  }
0x75: {  	_ =	shalt  }
0x76: {  	_ =	shalt  }
0x77: {  	_ =	shalt  }
0x78: {  	_ =	shalt  }
0x79: {  	_ =	shalt  }
0x7a: {  	_ =	shalt  }
0x7b: {  	_ =	shalt  }
0x7c: {  	_ =	shalt  }
0x7d: {  	_ =	shalt  }
0x7e: {  	_ =	shalt  }
0x7f: {  	_ =	shalt  }
0x80: {  	_ =	shalt  }
0x81: {  	_ =	shalt  }
0x82: {  	_ =	shalt  }
0x83: {  	_ =	shalt  }
0x84: {  	_ =	shalt  }
0x85: {  	_ =	shalt  }
0x86: {  	_ =	shalt  }
0x87: {  	_ =	shalt  }
.Lfunc_end0:
.L_simem_size_0:
called_computation.1_lowered:
.L_overlay_start_0:
0x88: {  	s2 =	sld [smem:$0x3FD9]  }
0x89: {  	s3 =	sld [smem:$0x3FFE];
	_ =	sdelay $0x1  }
0x8a: {  	s1 =	srdreg.scid  }
0x8b: {  	s0 =	sand.u32 $0x1, s1  }
0x8c: {  	s17 =	sshll.u32 s0, $0xA;
	s2 =	sadd.s32 s3, s2  }
0x8d: {  	s2 =	sadd.s32 s2, s17  }
0x8e: {  	[smem:$0x3FC0] =	sst s2  }
0x8f: {  	_ = 	snop  }
0x90: {  	s2 =	sld [smem:$0x3FD0];
	(tm) =	ssettm $0x1  }
0x91: {  	s18 =	sld [smem:$0x3FFB];
	_ =	sdelay $0x3  }
0x92: {  	_ =	strace s18  }
0x93: {  	s3 =	sld [smem:$0x3FFC];
	_ =	sdelay $0x3  }
0x94: {  	_ =	strace s3  }
0x95: {  	s3 =	sld [smem:$0x3FFD];
	_ =	sdelay $0x3  }
0x96: {  	_ =	strace s3  }
0x97: {  	_ =	strace $0x8FFFFFFF  }
0x98: {  	s19 =	sld [smem:$0x3FDB];
	_ =	sdelay $0x1  }
0x99: {  	s4 =	simm.s32 $_scs_section_size  }
0x9a: {  	s5 =	simm.s32 $_size__tile_overlayer_lowered;
	s6 =	simm.s32 $_tile_overlayer_lowered  }
0x9b: {  	s22 =	simm.s32 $0x1BFF;
	s21 =	sshll.u32 s6, $0x1;
	s3 =	sadd.s32 s4, s19  }
0x9c: {  	s7 =	simm.s32 $0x0;
	s20 =	sshll.u32 s5, $0x1;
	s5 =	sadd.s32 s21, s3  }
0x9d: {  	[timem:s7], [sflag:s22] =	dma.local [hbm:s5], s20  }
0x9e: {  	_ =	swait.ge [sflag:s22], s20  }
0x9f: {  	s4 =	ssub.s32 $0x0, s20;
	[sflag:s22] =	ssyncset.done $0x0  }
0xa0: {  	[sflag:s22] =	ssyncadd.s32 s4;
	_ =	sdelay $0x1  }
0xa1: {  	s23 =	simm.s32 $0x1B8B  }
0xa2: {  	_ =	swait.ge [sflag:s23], $0x1  }
0xa3: {  	[sflag:s23] =	ssyncset.done $0x0  }
0xa4: {  	s25 =	simm.s32 $0x1B8E;
	s24 =	sld [smem:$0x3FFE];
	[sflag:s23] =	ssyncadd.s32 $0xFFFFFFFF  }
0xa5: {  	s26 =	simm.s32 $execute0_lowered;
	[smem:$0x3FD2] =	sst s25  }
0xa6: {  	s5 =	sshll.u32 s26, $0x1;
	_ =	strace $0x80000049;
	[dreg:$0x1] =	wrdreg $0xFFFFFFFF  }
0xa7: {  	s28 =	simm.s32 $_size_execute0_lowered;
	s3 =	sadd.s32 s3, s5;
	[dreg:$0x0] =	wrdreg $0x0  }
0xa8: {  	s5 =	sshll.u32 s28, $0x1;
	[dreg:$0x2] =	wrdreg s3  }
0xa9: {  	[dreg:$0x3] =	wrdreg s5  }
0xaa: {  	[dreg:$0x4] =	wrdreg $0xC0  }
0xab: {  	_ =	task [dreg:s7], $0x5FFFF  }
0xac: {  	[dreg:$0x1] =	wrdreg $0xFFFFFFFF  }
0xad: {  	[dreg:$0x0] =	wrdreg $0x60  }
0xae: {  	[dreg:$0x2] =	wrdreg s24  }
0xaf: {  	[dreg:$0x3] =	wrdreg s2  }
0xb0: {  	[dreg:$0x4] =	wrdreg $0x41000  }
0xb1: {  	[dreg:$0x5] =	wrdreg $0x9  }
0xb2: {  	_ =	task.clear_ibuf [dreg:s7], $0x6FFFF;
	_ =	strace $0x90000049  }
0xb3: {  	s29 =	simm.s32 $0x9;
	_ =	strace $0x8000004B  }
0xb4: {  	_ =	swait.ge [sflag:s29], $0x1  }
0xb5: {  	[sflag:s29] =	ssyncadd.s32 $0xFFFFFFFF  }
0xb6: {  	_ =	strace $0x9000004B  }
0xb7: {  	_ =	sfence  }
0xb8: {  	s30 =	sld [smem:$0x0];
	_ =	sdelay $0x2  }
0xb9: {  	s31 =	sshll.u32 s1, $0xD;
	s1 =	sshrl.u32 s1, $0x2  }
0xba: {  	s3 =	sand.u32 $0x4000, s31;
	s1 =	sadd.s32 s1, s30  }
0xbb: {  	s0 =	sor.u32 s3, s0;
	s1 =	sshll.u32 s1, $0x11  }
0xbc: {  	s0 =	sor.u32 s1, s0  }
0xbd: {  	s0 =	sadd.s32 $0x8F2B, s0  }
0xbe: {  	[sflag:s0] =	ssyncadd.remote.s32 $0x1  }
0xbf: {  	_ =	sfence.sel $0xFFFF  }
0xc0: {  	[dreg:$0x0] =	wrdreg $0xFFFFFFFF;
	(pc) =	sbr.abs _section_cstart, $3  }
0xc1: {  	[dreg:$0x1] =	wrdreg $0xFFFFFFFF  }
0xc2: {  	_ =	task.clear_ibuf [dreg:s7], $0x2FFFF;
	_ =	strace $0x9FFFFFFF  }
0xc3: {  	(tm) =	ssettm $0x7FFFFFFF  }
tec
execute0_lowered:
.L_overlay_start_1:
0x0: {  	(tag) =	ssettag $0x1  }
0x1: {  	s7 =	rddreg [dreg:$0x0]  }
0x2: {  	s2 =	rddreg [dreg:$0x1]  }
0x3: {  	s3 =	rddreg [dreg:$0x2]  }
0x4: {  	s0 =	rddreg [dreg:$0x3];
	s4 =	simm.s32 $0x0;
	s1 =	stileid.u32  }
0x5: {  	s5 =	srdreg.scid;
	s15 =	simm.s32 $0x100;
	s16 =	simm.s32 $0x1  }
0x6: {  	s17 =	simm.s32 $0x0;
	[smem:$0x7FF] =	sst s4;
	s8 =	smul.u32 $0x14000, s1  }
0x7: {  	s9 =	sand.u32 $0x1, s5;
	s5 =	sadd.s32 $0x35800, s7;
	s6 =	sadd.s32 $0x3800, s7  }
0x8: {  	s13 =	smul.u32 $0x50000, s1;
	s31 =	sshll.u32 s1, $0x6;
	_ =	strace $0x8000004A  }
0x9: {  	s10 =	smul.u32 $0x140000, s9;
	s28 =	ssub.s32 $0x2, s9;
	s29 =	sshll.u32 s9, $0x4  }
0xa: {  	s11 =	sshrl.u32 s8, $0x3;
	s12 =	sshrl.u32 s28, $0x1;
	s9 =	sor.u32 s1, s29  }
0xb: {  	s30 =	sshrl.u32 s13, $0x2;
	s11 =	sadd.s32 s11, s7;
	s8 =	sadd.s32 s8, s10  }
0xc: {  	s12 =	ssub.s32 s28, s12;
	s13 =	sadd.s32 s30, s3;
	s8 =	sshrl.u32 s8, $0x3  }
0xd: {  	s9 =	smul.u32 $0x2800, s9;
	s14 =	sadd.s32 s8, s7;
	s7 =	sadd.s32 $0xD800, s11  }
0xe: {  	s8 =	sor.u32 $0x1C02, s31;
	s11 =	smax.u32 s12, $0x1;
	s12 =	sshrl.u32 s13, $0x3  }
0xf: {  	s13 =	simm.s32 $0x2;
	s10 =	sadd.s32 $0x5D800, s14;
	s14 =	simm.s32 $0x80  }
.LBB2_1:
0x10: {  	[spmem:s12], [sflag:s8] =	dma.local [hbm:s7], $0x2800  }
0x11: {  	s18 =	sand.u32 $0x3C00, s4  }
0x12: {  	s19 =	sand.u32 $0x380, s4;
	_ =	swait.ge [sflag:s13], $0x2800;
	s18 =	sadd.s32 s9, s18  }
0x13: {  	[sflag:s13] =	ssyncset.done $0x0;
	s18 =	sor.u32 s19, s18  }
0x14: {  	[sflag:s13] =	ssyncadd.s32 $0xFFFFD800;
	s18 =	sshrl.u32 s18, $0x3  }
0x15: {  	[bflag:$0x0] =	sbarrier.arrive $0xFFFF;
	s29 =	sadd.s32 s2, s18  }
0x16: {  	[tilespmem:s4], [sflag:$0x2] =	stream.linear.gather [hbm4b:s29+s4], $0x80, $0x38;
	[tilespmem:$0x18100] =	vst v63  }
0x17: {  	_ =	swait.ge [sflag:s13], $0x80  }
0x18: {  	[sflag:s13] =	ssyncset.done $0x0  }
0x19: {  	[sflag:s13] =	ssyncadd.s32 $0xFFFFFF80  }
0x1a: {  	[tilespmem:s15], [sflag:$0x1] =	stream.indirect.gather [hbm4b:s5+s14], $0x80, s4, s14, $0xb8;
	[tilespmem:$0x18100] =	vst v63  }
0x1b: {  	_ =	swait.ge [sflag:s16], $0x4000  }
0x1c: {  	[sflag:s16] =	ssyncset.done $0x0  }
0x1d: {  	s18 =	sadd.s32 s6, s18;
	[sflag:s16] =	ssyncadd.s32 $0xFFFFC000  }
0x1e: {  	[tilespmem:s14], [sflag:$0x2] =	stream.linear.gather [hbm4b:s18+s4], $0x80, $0x38;
	[tilespmem:$0x18100] =	vst v63  }
0x1f: {  	_ =	swait.ge [sflag:s13], $0x80  }
0x20: {  	s30 =	simm.s32 $0x80;
	[sflag:s13] =	ssyncset.done $0x0  }
0x21: {  	s31 =	sand.u32 $0x3C00, s30;
	[sflag:s13] =	ssyncadd.s32 $0xFFFFFF80  }
0x22: {  	[spmem:s3] =	stream.indirect.scatter.add.f32 [tilespmem:s15], [sflag:$0x2], $0x80, s14, s14, $0xb8;
	[tilespmem:$0x18100] =	vst v63  }
0x23: {  	s20 =	sand.u32 $0x380, s30;
	s19 =	sadd.s32 s9, s31;
	_ =	swait.ge [sflag:s13], $0x4000  }
0x24: {  	s19 =	sor.u32 s20, s19;
	s18 =	simm.s32 $0x100;
	[sflag:s13] =	ssyncset.done $0x0  }
.LBB2_2:
0x25: {  	s19 =	sshrl.u32 s19, $0x3  }
0x26: {  	[sflag:s13] =	ssyncadd.s32 $0xFFFFC000;
	s20 =	smov.u32 s18;
	s21 =	sadd.s32 $0x80, s18  }
0x27: {  	p0 =	sne.s32 s18, $0x2700;
	s18 =	sadd.s32 s2, s19  }
0x28: {  	[tilespmem:s4], [sflag:$0x2] =	stream.linear.gather [hbm4b:s18+s4], $0x80, $0x38;
	[tilespmem:$0x18100] =	vst v63  }
0x29: {  	_ =	swait.ge [sflag:s13], $0x80  }
0x2a: {  	[sflag:s13] =	ssyncset.done $0x0  }
0x2b: {  	[sflag:s13] =	ssyncadd.s32 $0xFFFFFF80  }
0x2c: {  	[tilespmem:s15], [sflag:$0x1] =	stream.indirect.gather [hbm4b:s5+s14], $0x80, s4, s14, $0xb8;
	[tilespmem:$0x18100] =	vst v63  }
0x2d: {  	_ =	swait.ge [sflag:s16], $0x4000  }
0x2e: {  	[sflag:s16] =	ssyncset.done $0x0  }
0x2f: {  	s18 =	sadd.s32 s6, s19;
	[sflag:s16] =	ssyncadd.s32 $0xFFFFC000  }
0x30: {  	[tilespmem:s14], [sflag:$0x2] =	stream.linear.gather [hbm4b:s18+s4], $0x80, $0x38;
	[tilespmem:$0x18100] =	vst v63  }
0x31: {  	_ =	swait.ge [sflag:s13], $0x80  }
.Ltmp0:
0x32: {  	[sflag:s13] =	ssyncset.done $0x0;
	(pc) =	sbr.rel @p0 .LBB2_2-.Ltmp0, $4  }
0x33: {  	s18 =	sand.u32 $0x3C00, s20;
	[sflag:s13] =	ssyncadd.s32 $0xFFFFFF80  }
0x34: {  	[spmem:s3] =	stream.indirect.scatter.add.f32 [tilespmem:s15], [sflag:$0x2], $0x80, s14, s14, $0xb8;
	[tilespmem:$0x18100] =	vst v63  }
0x35: {  	s19 =	sand.u32 $0x380, s20;
	s18 =	sadd.s32 s9, s18;
	_ =	swait.ge [sflag:s13], $0x4000  }
0x36: {  	s19 =	sor.u32 s19, s18;
	s18 =	smov.u32 s21;
	[sflag:s13] =	ssyncset.done $0x0  }
0x37: {  	s18 =	sshrl.u32 s19, $0x3  }
0x38: {  	[sflag:s13] =	ssyncadd.s32 $0xFFFFC000;
	s19 =	sadd.s32 s2, s18  }
0x39: {  	[tilespmem:s4], [sflag:$0x2] =	stream.linear.gather [hbm4b:s19+s4], $0x80, $0x38;
	[tilespmem:$0x18100] =	vst v63  }
0x3a: {  	_ =	swait.ge [sflag:s13], $0x80  }
0x3b: {  	[sflag:s13] =	ssyncset.done $0x0  }
0x3c: {  	[sflag:s13] =	ssyncadd.s32 $0xFFFFFF80  }
0x3d: {  	[tilespmem:s15], [sflag:$0x1] =	stream.indirect.gather [hbm4b:s5+s14], $0x80, s4, s14, $0xb8;
	[tilespmem:$0x18100] =	vst v63  }
0x3e: {  	_ =	swait.ge [sflag:s16], $0x4000  }
0x3f: {  	[sflag:s16] =	ssyncset.done $0x0  }
0x40: {  	s18 =	sadd.s32 s6, s18;
	[sflag:s16] =	ssyncadd.s32 $0xFFFFC000  }
0x41: {  	[tilespmem:s14], [sflag:$0x2] =	stream.linear.gather [hbm4b:s18+s4], $0x80, $0x38;
	[tilespmem:$0x18100] =	vst v63  }
0x42: {  	_ =	swait.ge [sflag:s13], $0x80  }
0x43: {  	[sflag:s13] =	ssyncset.done $0x0  }
0x44: {  	[sflag:s13] =	ssyncadd.s32 $0xFFFFFF80  }
0x45: {  	[spmem:s3] =	stream.indirect.scatter.add.f32 [tilespmem:s15], [sflag:$0x2], $0x80, s14, s14, $0xb8;
	[tilespmem:$0x18100] =	vst v63  }
0x46: {  	_ =	swait.ge [sflag:s13], $0x4000  }
0x47: {  	s17 =	sadd.s32 $0x1, s17;
	[sflag:s13] =	ssyncset.done $0x0  }
0x48: {  	p0 =	sne.s32 s17, s11;
	[sflag:s13] =	ssyncadd.s32 $0xFFFFC000  }
.Ltmp1:
0x49: {  	[bflag:$0x0] =	sbarrier.arrive $0xFFFF;
	(pc) =	sbr.rel @p0 .LBB2_1-.Ltmp1, $4  }
0x4a: {  	[hbm:s10], [sflag:s8] =	dma.local [spmem:s12], $0x2800  }
0x4b: {  	_ =	swait.ge [sflag:s13], $0x2800  }
0x4c: {  	[sflag:s13] =	ssyncset.done $0x0  }
0x4d: {  	[sflag:s13] =	ssyncadd.s32 $0xFFFFD800  }
0x4e: {  	_ =	sfence.sel $0x180000  }
0x4f: {  	[bflag:$0x0] =	sbarrier.arrive $0xFFFF  }
0x50: {  	p0 =	sne.s32 s1, $0x0;
	_ =	strace $0x9000004A  }
0x51: {  	s0 =	sadd.s32 @!p0 $0x100000, s0;
	[bflag:$0x2] =	sbarrier.arrive $0xFFFF  }
0x52: {  	[sflag:s0] =	ssyncadd.tile.s32 @!p0 $0x1;
	_ =	shalt  }
.Lfunc_end2:
_tile_overlayer_lowered:
.L_overlay_start_2:
0x53: {  	(tag) =	ssettag $0x2  }
0x54: {  	s0 =	rddreg [dreg:$0x0];
	s2 =	stileid.u32  }
0x55: {  	s1 =	rddreg [dreg:$0x1];
	p0 =	sne.s32 s2, $0x0  }
0x56: {  	s3 =	rddreg [dreg:$0x2];
	[bflag:$0x3] =	sbarrier.arrive $0xFFFF;
	s2 =	simm.s32 @!p0 $0x1C02  }
0x57: {  	[timem:s3], [sflag:s2] =	dma.local @!p0 [hbm:s0], s1  }
0x58: {  	s0 =	simm.s32 @!p0 $0x2  }
0x59: {  	_ =	swait.ge @!p0 [sflag:s0], s1  }
0x5a: {  	s1 =	ssub.s32 @!p0 $0x0, s1;
	[sflag:s0] =	ssyncset.done @!p0 $0x0  }
0x5b: {  	[sflag:s0] =	ssyncadd.s32 @!p0 s1  }
0x5c: {  	[bflag:$0x3] =	sbarrier.arrive $0xFFFF  }
0x5d: {  	_ =	shalt  }

// kernel: kernel.18.cloned.1.call-start
scs
__scs_entry_jumppad:
0x0: {  	(pc) =	sbr.rel $0x88, $3  }
0x1: {  	(tag) =	ssettag $0x0;
	lr =	simm.s32 $0x1  }
0x2: {  	[smem:$0x3F99] =	sst lr;
	_ =	strace $0xD0000000  }
0x3: {  	_ = 	snop  }
0x4: {  	_ = 	snop  }
0x5: {  	_ = 	snop  }
0x6: {  	_ = 	snop  }
0x7: {  	_ = 	snop  }
__scs_overlays_trampoline_lowered:
0x8: {  	[smem:$0x3FA8] =	sst s0  }
0x9: {  	[smem:$0x3FA9] =	sst s1  }
0xa: {  	[smem:$0x3FAA] =	sst s2  }
0xb: {  	[smem:$0x3FAB] =	sst s3  }
0xc: {  	[smem:$0x3FAC] =	sst s4  }
0xd: {  	[smem:$0x3FAD] =	sst s5  }
0xe: {  	[smem:$0x3FAE] =	sst s6  }
0xf: {  	[smem:$0x3FAF] =	sst s7  }
0x10: {  	[smem:$0x3FB0] =	sst s8  }
0x11: {  	[smem:$0x3FB1] =	sst s9;
	s0 =	simm.s32 @!p0 $0x0  }
0x12: {  	s1 =	sld [smem:$0x3F97];
	s0 =	simm.s32 @p0 $0x1  }
0x13: {  	[smem:$0x3FB2] =	sst s0;
	s0 =	simm.s32 @!p1 $0x0  }
0x14: {  	s2 =	sld [smem:$0x3F96];
	s0 =	simm.s32 @p1 $0x1  }
0x15: {  	[smem:$0x3FB3] =	sst s0;
	s0 =	simm.s32 @!p2 $0x0  }
0x16: {  	s3 =	sld [smem:$0x3FDB];
	s0 =	simm.s32 @p2 $0x1  }
0x17: {  	s4 =	simm.s32 $0x1BF5;
	[smem:$0x3FB5] =	sst s0  }
0x18: {  	s0 =	sld [smem:$0x3F98];
	_ =	swait.ge [sflag:s4], $0x0  }
0x19: {  	s7 =	sld [smem:$0x3F99]  }
0x1a: {  	s8 =	sadd.s32 $0xFFFFE003, lr  }
0x1b: {  	s9 =	sadd.s32 $0xFFFFFEF7, lr;
	s5 =	simm.s32 $0xFFFFFFFF;
	p2 =	slt.u32 s8, $0xFFFFF086  }
0x1c: {  	p1 =	slt.u32 s9, $0xF7A;
	s5 =	simm.s32 @!p2 $0x0  }
0x1d: {  	s5 =	simm.s32 @p1 $0x1;
	p0 =	seq.s32 s7, s2  }
0x1e: {  	s7 =	smul.u32 @!p0 $0xF7A, s2;
	p2 =	seq.s32 @!p0 s5, $0x0  }
0x1f: {  	s9 =	smul.u32 $0xF7A, s1;
	s8 =	simm.s32 @!p0 $0x1BF5;
	p2 =	por !p2, p0  }
0x20: {  	[sflag:s8] =	ssyncset.s32 @!p0 $0xFFFFF086;
	s6 =	sadd.s32 @!p0 s3, s7;
	s7 =	simm.s32 @!p0 $0x108  }
0x21: {  	s3 =	sadd.s32 s3, s9;
	s6 =	sadd.s32 @!p0 $0x88, s6;
	s7 =	simm.s32 @p2 $0x1082  }
0x22: {  	[simem:s7], [sflag:s8] =	dma.local @!p0 [hbm:s6], $0xF7A  }
0x23: {  	s9 =	sor.u32 $0xD0000000, s2;
	s6 =	simm.s32 $0x108;
	_ =	swait.ge @!p0 [sflag:s8], $0x0  }
0x24: {  	s3 =	sadd.s32 $0x88, s3;
	s6 =	simm.s32 @!p1 $0x1082;
	[sflag:s4] =	ssyncset.s32 $0xFFFFF086  }
0x25: {  	[simem:s6], [sflag:s4] =	dma.local [hbm:s3], $0xF7A  }
0x26: {  	[smem:$0x3F99] =	sst s1;
	(tag) =	ssettag s2;
	_ =	strace s9  }
0x27: {  	s1 =	sld [smem:$0x3FA9]  }
0x28: {  	s2 =	sld [smem:$0x3FAA]  }
0x29: {  	s4 =	sld [smem:$0x3FAC]  }
0x2a: {  	p0 =	seq.s32 s5, $0x0;
	s5 =	sld [smem:$0x3FAD]  }
0x2b: {  	s6 =	sld [smem:$0x3FAE]  }
0x2c: {  	s7 =	sld [smem:$0x3FAF]  }
0x2d: {  	s3 =	simm.s32 $0x108;
	s8 =	sld [smem:$0x3FB0]  }
0x2e: {  	s3 =	simm.s32 @!p0 $0x1082;
	s9 =	sld [smem:$0x3FB1]  }
0x2f: {  	lr =	sadd.s32 s0, s3;
	s0 =	sld [smem:$0x3FA8]  }
0x30: {  	s3 =	sld [smem:$0x3FAB]  }
0x31: {  	[smem:$0x3FB4] =	sst s10  }
0x32: {  	s10 =	sld [smem:$0x3FB2];
	_ =	sdelay $0x3  }
0x33: {  	p0 =	seq.s32 s10, $0x1;
	s10 =	sld [smem:$0x3FB4];
	_ =	sdelay $0x3  }
0x34: {  	[smem:$0x3FB4] =	sst s10  }
0x35: {  	s10 =	sld [smem:$0x3FB3];
	_ =	sdelay $0x3  }
0x36: {  	p1 =	seq.s32 s10, $0x1;
	s10 =	sld [smem:$0x3FB4];
	_ =	sdelay $0x3  }
0x37: {  	[smem:$0x3FB4] =	sst s10  }
0x38: {  	s10 =	sld [smem:$0x3FB5]  }
0x39: {  	_ = 	snop;
	(pc) =	sbr.ind lr, $3  }
0x3a: {  	_ = 	snop  }
0x3b: {  	_ = 	snop  }
0x3c: {  	p2 =	seq.s32 s10, $0x1;
	s10 =	sld [smem:$0x3FB4]  }
0x3d: {  	_ =	shalt  }
0x3e: {  	_ =	shalt  }
0x3f: {  	_ =	shalt  }
0x40: {  	_ =	shalt  }
0x41: {  	_ =	shalt  }
0x42: {  	_ =	shalt  }
0x43: {  	_ =	shalt  }
0x44: {  	_ =	shalt  }
0x45: {  	_ =	shalt  }
0x46: {  	_ =	shalt  }
0x47: {  	_ =	shalt  }
0x48: {  	_ =	shalt  }
0x49: {  	_ =	shalt  }
0x4a: {  	_ =	shalt  }
0x4b: {  	_ =	shalt  }
0x4c: {  	_ =	shalt  }
0x4d: {  	_ =	shalt  }
0x4e: {  	_ =	shalt  }
0x4f: {  	_ =	shalt  }
0x50: {  	_ =	shalt  }
0x51: {  	_ =	shalt  }
0x52: {  	_ =	shalt  }
0x53: {  	_ =	shalt  }
0x54: {  	_ =	shalt  }
0x55: {  	_ =	shalt  }
0x56: {  	_ =	shalt  }
0x57: {  	_ =	shalt  }
0x58: {  	_ =	shalt  }
0x59: {  	_ =	shalt  }
0x5a: {  	_ =	shalt  }
0x5b: {  	_ =	shalt  }
0x5c: {  	_ =	shalt  }
0x5d: {  	_ =	shalt  }
0x5e: {  	_ =	shalt  }
0x5f: {  	_ =	shalt  }
0x60: {  	_ =	shalt  }
0x61: {  	_ =	shalt  }
0x62: {  	_ =	shalt  }
0x63: {  	_ =	shalt  }
0x64: {  	_ =	shalt  }
0x65: {  	_ =	shalt  }
0x66: {  	_ =	shalt  }
0x67: {  	_ =	shalt  }
0x68: {  	_ =	shalt  }
0x69: {  	_ =	shalt  }
0x6a: {  	_ =	shalt  }
0x6b: {  	_ =	shalt  }
0x6c: {  	_ =	shalt  }
0x6d: {  	_ =	shalt  }
0x6e: {  	_ =	shalt  }
0x6f: {  	_ =	shalt  }
0x70: {  	_ =	shalt  }
0x71: {  	_ =	shalt  }
0x72: {  	_ =	shalt  }
0x73: {  	_ =	shalt  }
0x74: {  	_ =	shalt  }
0x75: {  	_ =	shalt  }
0x76: {  	_ =	shalt  }
0x77: {  	_ =	shalt  }
0x78: {  	_ =	shalt  }
0x79: {  	_ =	shalt  }
0x7a: {  	_ =	shalt  }
0x7b: {  	_ =	shalt  }
0x7c: {  	_ =	shalt  }
0x7d: {  	_ =	shalt  }
0x7e: {  	_ =	shalt  }
0x7f: {  	_ =	shalt  }
0x80: {  	_ =	shalt  }
0x81: {  	_ =	shalt  }
0x82: {  	_ =	shalt  }
0x83: {  	_ =	shalt  }
0x84: {  	_ =	shalt  }
0x85: {  	_ =	shalt  }
0x86: {  	_ =	shalt  }
0x87: {  	_ =	shalt  }
.Lfunc_end0:
.L_simem_size_0:
called_computation.2_lowered:
.L_overlay_start_0:
0x88: {  	s2 =	sld [smem:$0x3FD9]  }
0x89: {  	s3 =	sld [smem:$0x3FFE];
	_ =	sdelay $0x1  }
0x8a: {  	s1 =	srdreg.scid  }
0x8b: {  	s0 =	sand.u32 $0x1, s1  }
0x8c: {  	s17 =	sshll.u32 s0, $0xA;
	s2 =	sadd.s32 s3, s2  }
0x8d: {  	s2 =	sadd.s32 s2, s17  }
0x8e: {  	[smem:$0x3FC0] =	sst s2  }
0x8f: {  	_ = 	snop  }
0x90: {  	s2 =	sld [smem:$0x3FD0];
	(tm) =	ssettm $0x1  }
0x91: {  	s18 =	sld [smem:$0x3FFB];
	_ =	sdelay $0x3  }
0x92: {  	_ =	strace s18  }
0x93: {  	s3 =	sld [smem:$0x3FFC];
	_ =	sdelay $0x3  }
0x94: {  	_ =	strace s3  }
0x95: {  	s3 =	sld [smem:$0x3FFD];
	_ =	sdelay $0x3  }
0x96: {  	_ =	strace s3  }
0x97: {  	_ =	strace $0x8FFFFFFF  }
0x98: {  	s19 =	sld [smem:$0x3FDB];
	_ =	sdelay $0x1  }
0x99: {  	s4 =	simm.s32 $_scs_section_size  }
0x9a: {  	s5 =	simm.s32 $_size__tile_overlayer_lowered;
	s6 =	simm.s32 $_tile_overlayer_lowered  }
0x9b: {  	s22 =	simm.s32 $0x1BFF;
	s21 =	sshll.u32 s6, $0x1;
	s3 =	sadd.s32 s4, s19  }
0x9c: {  	s7 =	simm.s32 $0x0;
	s20 =	sshll.u32 s5, $0x1;
	s5 =	sadd.s32 s21, s3  }
0x9d: {  	[timem:s7], [sflag:s22] =	dma.local [hbm:s5], s20  }
0x9e: {  	_ =	swait.ge [sflag:s22], s20  }
0x9f: {  	s4 =	ssub.s32 $0x0, s20;
	[sflag:s22] =	ssyncset.done $0x0  }
0xa0: {  	[sflag:s22] =	ssyncadd.s32 s4;
	_ =	sdelay $0x1  }
0xa1: {  	s23 =	simm.s32 $0x1B8B  }
0xa2: {  	_ =	swait.ge [sflag:s23], $0x1  }
0xa3: {  	[sflag:s23] =	ssyncset.done $0x0  }
0xa4: {  	s25 =	simm.s32 $0x1B8E;
	s24 =	sld [smem:$0x3FFE];
	[sflag:s23] =	ssyncadd.s32 $0xFFFFFFFF  }
0xa5: {  	s26 =	simm.s32 $execute0_lowered;
	[smem:$0x3FD2] =	sst s25  }
0xa6: {  	s5 =	sshll.u32 s26, $0x1;
	_ =	strace $0x8000004C;
	[dreg:$0x1] =	wrdreg $0xFFFFFFFF  }
0xa7: {  	s28 =	simm.s32 $_size_execute0_lowered;
	s3 =	sadd.s32 s3, s5;
	[dreg:$0x0] =	wrdreg $0x0  }
0xa8: {  	s5 =	sshll.u32 s28, $0x1;
	[dreg:$0x2] =	wrdreg s3  }
0xa9: {  	[dreg:$0x3] =	wrdreg s5  }
0xaa: {  	[dreg:$0x4] =	wrdreg $0xC0  }
0xab: {  	_ =	task [dreg:s7], $0x5FFFF  }
0xac: {  	[dreg:$0x1] =	wrdreg $0xFFFFFFFF  }
0xad: {  	[dreg:$0x0] =	wrdreg $0x60  }
0xae: {  	[dreg:$0x2] =	wrdreg s24  }
0xaf: {  	[dreg:$0x3] =	wrdreg s2  }
0xb0: {  	[dreg:$0x4] =	wrdreg $0x41000  }
0xb1: {  	[dreg:$0x5] =	wrdreg $0x9  }
0xb2: {  	_ =	task.clear_ibuf [dreg:s7], $0x6FFFF;
	_ =	strace $0x9000004C  }
0xb3: {  	s29 =	simm.s32 $0x9;
	_ =	strace $0x8000004E  }
0xb4: {  	_ =	swait.ge [sflag:s29], $0x1  }
0xb5: {  	[sflag:s29] =	ssyncadd.s32 $0xFFFFFFFF  }
0xb6: {  	_ =	strace $0x9000004E  }
0xb7: {  	_ =	sfence  }
0xb8: {  	s30 =	sld [smem:$0x0];
	_ =	sdelay $0x2  }
0xb9: {  	s31 =	sshll.u32 s1, $0xD;
	s1 =	sshrl.u32 s1, $0x2  }
0xba: {  	s3 =	sand.u32 $0x4000, s31;
	s1 =	sadd.s32 s1, s30  }
0xbb: {  	s0 =	sor.u32 s3, s0;
	s1 =	sshll.u32 s1, $0x11  }
0xbc: {  	s0 =	sor.u32 s1, s0  }
0xbd: {  	s0 =	sadd.s32 $0x8F2B, s0  }
0xbe: {  	[sflag:s0] =	ssyncadd.remote.s32 $0x1  }
0xbf: {  	_ =	sfence.sel $0xFFFF  }
0xc0: {  	[dreg:$0x0] =	wrdreg $0xFFFFFFFF;
	(pc) =	sbr.abs _section_cstart, $3  }
0xc1: {  	[dreg:$0x1] =	wrdreg $0xFFFFFFFF  }
0xc2: {  	_ =	task.clear_ibuf [dreg:s7], $0x2FFFF;
	_ =	strace $0x9FFFFFFF  }
0xc3: {  	(tm) =	ssettm $0x7FFFFFFF  }
tec
execute0_lowered:
.L_overlay_start_1:
0x0: {  	(tag) =	ssettag $0x1  }
0x1: {  	s7 =	rddreg [dreg:$0x0]  }
0x2: {  	s2 =	rddreg [dreg:$0x1]  }
0x3: {  	s3 =	rddreg [dreg:$0x2]  }
0x4: {  	s0 =	rddreg [dreg:$0x3];
	s4 =	simm.s32 $0x0;
	s1 =	stileid.u32  }
0x5: {  	s5 =	srdreg.scid;
	s15 =	simm.s32 $0x100;
	s16 =	simm.s32 $0x1  }
0x6: {  	s17 =	simm.s32 $0x0;
	[smem:$0x7FF] =	sst s4;
	s8 =	smul.u32 $0x14000, s1  }
0x7: {  	s9 =	sand.u32 $0x1, s5;
	s5 =	sadd.s32 $0x35800, s7;
	s6 =	sadd.s32 $0x3800, s7  }
0x8: {  	s13 =	smul.u32 $0x50000, s1;
	s31 =	sshll.u32 s1, $0x6;
	_ =	strace $0x8000004D  }
0x9: {  	s10 =	smul.u32 $0x140000, s9;
	s28 =	ssub.s32 $0x2, s9;
	s29 =	sshll.u32 s9, $0x4  }
0xa: {  	s11 =	sshrl.u32 s8, $0x3;
	s12 =	sshrl.u32 s28, $0x1;
	s9 =	sor.u32 s1, s29  }
0xb: {  	s30 =	sshrl.u32 s13, $0x2;
	s11 =	sadd.s32 s11, s7;
	s8 =	sadd.s32 s8, s10  }
0xc: {  	s12 =	ssub.s32 s28, s12;
	s13 =	sadd.s32 s30, s3;
	s8 =	sshrl.u32 s8, $0x3  }
0xd: {  	s9 =	smul.u32 $0x2800, s9;
	s14 =	sadd.s32 s8, s7;
	s7 =	sadd.s32 $0xD800, s11  }
0xe: {  	s8 =	sor.u32 $0x1C02, s31;
	s11 =	smax.u32 s12, $0x1;
	s12 =	sshrl.u32 s13, $0x3  }
0xf: {  	s13 =	simm.s32 $0x2;
	s10 =	sadd.s32 $0x5D800, s14;
	s14 =	simm.s32 $0x80  }
.LBB2_1:
0x10: {  	[spmem:s12], [sflag:s8] =	dma.local [hbm:s7], $0x2800  }
0x11: {  	s18 =	sand.u32 $0x3C00, s4  }
0x12: {  	s19 =	sand.u32 $0x380, s4;
	_ =	swait.ge [sflag:s13], $0x2800;
	s18 =	sadd.s32 s9, s18  }
0x13: {  	[sflag:s13] =	ssyncset.done $0x0;
	s18 =	sor.u32 s19, s18  }
0x14: {  	[sflag:s13] =	ssyncadd.s32 $0xFFFFD800;
	s18 =	sshrl.u32 s18, $0x3  }
0x15: {  	[bflag:$0x0] =	sbarrier.arrive $0xFFFF;
	s29 =	sadd.s32 s2, s18  }
0x16: {  	[tilespmem:s4], [sflag:$0x2] =	stream.linear.gather [hbm4b:s29+s4], $0x80, $0x38;
	[tilespmem:$0x18100] =	vst v63  }
0x17: {  	_ =	swait.ge [sflag:s13], $0x80  }
0x18: {  	[sflag:s13] =	ssyncset.done $0x0  }
0x19: {  	[sflag:s13] =	ssyncadd.s32 $0xFFFFFF80  }
0x1a: {  	[tilespmem:s15], [sflag:$0x1] =	stream.indirect.gather [hbm4b:s5+s14], $0x80, s4, s14, $0xb8;
	[tilespmem:$0x18100] =	vst v63  }
0x1b: {  	_ =	swait.ge [sflag:s16], $0x4000  }
0x1c: {  	[sflag:s16] =	ssyncset.done $0x0  }
0x1d: {  	s18 =	sadd.s32 s6, s18;
	[sflag:s16] =	ssyncadd.s32 $0xFFFFC000  }
0x1e: {  	[tilespmem:s14], [sflag:$0x2] =	stream.linear.gather [hbm4b:s18+s4], $0x80, $0x38;
	[tilespmem:$0x18100] =	vst v63  }
0x1f: {  	_ =	swait.ge [sflag:s13], $0x80  }
0x20: {  	s30 =	simm.s32 $0x80;
	[sflag:s13] =	ssyncset.done $0x0  }
0x21: {  	s31 =	sand.u32 $0x3C00, s30;
	[sflag:s13] =	ssyncadd.s32 $0xFFFFFF80  }
0x22: {  	[spmem:s3] =	stream.indirect.scatter.add.f32 [tilespmem:s15], [sflag:$0x2], $0x80, s14, s14, $0xb8;
	[tilespmem:$0x18100] =	vst v63  }
0x23: {  	s20 =	sand.u32 $0x380, s30;
	s19 =	sadd.s32 s9, s31;
	_ =	swait.ge [sflag:s13], $0x4000  }
0x24: {  	s19 =	sor.u32 s20, s19;
	s18 =	simm.s32 $0x100;
	[sflag:s13] =	ssyncset.done $0x0  }
.LBB2_2:
0x25: {  	s19 =	sshrl.u32 s19, $0x3  }
0x26: {  	[sflag:s13] =	ssyncadd.s32 $0xFFFFC000;
	s20 =	smov.u32 s18;
	s21 =	sadd.s32 $0x80, s18  }
0x27: {  	p0 =	sne.s32 s18, $0x2700;
	s18 =	sadd.s32 s2, s19  }
0x28: {  	[tilespmem:s4], [sflag:$0x2] =	stream.linear.gather [hbm4b:s18+s4], $0x80, $0x38;
	[tilespmem:$0x18100] =	vst v63  }
0x29: {  	_ =	swait.ge [sflag:s13], $0x80  }
0x2a: {  	[sflag:s13] =	ssyncset.done $0x0  }
0x2b: {  	[sflag:s13] =	ssyncadd.s32 $0xFFFFFF80  }
0x2c: {  	[tilespmem:s15], [sflag:$0x1] =	stream.indirect.gather [hbm4b:s5+s14], $0x80, s4, s14, $0xb8;
	[tilespmem:$0x18100] =	vst v63  }
0x2d: {  	_ =	swait.ge [sflag:s16], $0x4000  }
0x2e: {  	[sflag:s16] =	ssyncset.done $0x0  }
0x2f: {  	s18 =	sadd.s32 s6, s19;
	[sflag:s16] =	ssyncadd.s32 $0xFFFFC000  }
0x30: {  	[tilespmem:s14], [sflag:$0x2] =	stream.linear.gather [hbm4b:s18+s4], $0x80, $0x38;
	[tilespmem:$0x18100] =	vst v63  }
0x31: {  	_ =	swait.ge [sflag:s13], $0x80  }
.Ltmp0:
0x32: {  	[sflag:s13] =	ssyncset.done $0x0;
	(pc) =	sbr.rel @p0 .LBB2_2-.Ltmp0, $4  }
0x33: {  	s18 =	sand.u32 $0x3C00, s20;
	[sflag:s13] =	ssyncadd.s32 $0xFFFFFF80  }
0x34: {  	[spmem:s3] =	stream.indirect.scatter.add.f32 [tilespmem:s15], [sflag:$0x2], $0x80, s14, s14, $0xb8;
	[tilespmem:$0x18100] =	vst v63  }
0x35: {  	s19 =	sand.u32 $0x380, s20;
	s18 =	sadd.s32 s9, s18;
	_ =	swait.ge [sflag:s13], $0x4000  }
0x36: {  	s19 =	sor.u32 s19, s18;
	s18 =	smov.u32 s21;
	[sflag:s13] =	ssyncset.done $0x0  }
0x37: {  	s18 =	sshrl.u32 s19, $0x3  }
0x38: {  	[sflag:s13] =	ssyncadd.s32 $0xFFFFC000;
	s19 =	sadd.s32 s2, s18  }
0x39: {  	[tilespmem:s4], [sflag:$0x2] =	stream.linear.gather [hbm4b:s19+s4], $0x80, $0x38;
	[tilespmem:$0x18100] =	vst v63  }
0x3a: {  	_ =	swait.ge [sflag:s13], $0x80  }
0x3b: {  	[sflag:s13] =	ssyncset.done $0x0  }
0x3c: {  	[sflag:s13] =	ssyncadd.s32 $0xFFFFFF80  }
0x3d: {  	[tilespmem:s15], [sflag:$0x1] =	stream.indirect.gather [hbm4b:s5+s14], $0x80, s4, s14, $0xb8;
	[tilespmem:$0x18100] =	vst v63  }
0x3e: {  	_ =	swait.ge [sflag:s16], $0x4000  }
0x3f: {  	[sflag:s16] =	ssyncset.done $0x0  }
0x40: {  	s18 =	sadd.s32 s6, s18;
	[sflag:s16] =	ssyncadd.s32 $0xFFFFC000  }
0x41: {  	[tilespmem:s14], [sflag:$0x2] =	stream.linear.gather [hbm4b:s18+s4], $0x80, $0x38;
	[tilespmem:$0x18100] =	vst v63  }
0x42: {  	_ =	swait.ge [sflag:s13], $0x80  }
0x43: {  	[sflag:s13] =	ssyncset.done $0x0  }
0x44: {  	[sflag:s13] =	ssyncadd.s32 $0xFFFFFF80  }
0x45: {  	[spmem:s3] =	stream.indirect.scatter.add.f32 [tilespmem:s15], [sflag:$0x2], $0x80, s14, s14, $0xb8;
	[tilespmem:$0x18100] =	vst v63  }
0x46: {  	_ =	swait.ge [sflag:s13], $0x4000  }
0x47: {  	s17 =	sadd.s32 $0x1, s17;
	[sflag:s13] =	ssyncset.done $0x0  }
0x48: {  	p0 =	sne.s32 s17, s11;
	[sflag:s13] =	ssyncadd.s32 $0xFFFFC000  }
.Ltmp1:
0x49: {  	[bflag:$0x0] =	sbarrier.arrive $0xFFFF;
	(pc) =	sbr.rel @p0 .LBB2_1-.Ltmp1, $4  }
0x4a: {  	[hbm:s10], [sflag:s8] =	dma.local [spmem:s12], $0x2800  }
0x4b: {  	_ =	swait.ge [sflag:s13], $0x2800  }
0x4c: {  	[sflag:s13] =	ssyncset.done $0x0  }
0x4d: {  	[sflag:s13] =	ssyncadd.s32 $0xFFFFD800  }
0x4e: {  	_ =	sfence.sel $0x180000  }
0x4f: {  	[bflag:$0x0] =	sbarrier.arrive $0xFFFF  }
0x50: {  	p0 =	sne.s32 s1, $0x0;
	_ =	strace $0x9000004D  }
0x51: {  	s0 =	sadd.s32 @!p0 $0x100000, s0;
	[bflag:$0x2] =	sbarrier.arrive $0xFFFF  }
0x52: {  	[sflag:s0] =	ssyncadd.tile.s32 @!p0 $0x1;
	_ =	shalt  }
.Lfunc_end2:
_tile_overlayer_lowered:
.L_overlay_start_2:
0x53: {  	(tag) =	ssettag $0x2  }
0x54: {  	s0 =	rddreg [dreg:$0x0];
	s2 =	stileid.u32  }
0x55: {  	s1 =	rddreg [dreg:$0x1];
	p0 =	sne.s32 s2, $0x0  }
0x56: {  	s3 =	rddreg [dreg:$0x2];
	[bflag:$0x3] =	sbarrier.arrive $0xFFFF;
	s2 =	simm.s32 @!p0 $0x1C02  }
0x57: {  	[timem:s3], [sflag:s2] =	dma.local @!p0 [hbm:s0], s1  }
0x58: {  	s0 =	simm.s32 @!p0 $0x2  }
0x59: {  	_ =	swait.ge @!p0 [sflag:s0], s1  }
0x5a: {  	s1 =	ssub.s32 @!p0 $0x0, s1;
	[sflag:s0] =	ssyncset.done @!p0 $0x0  }
0x5b: {  	[sflag:s0] =	ssyncadd.s32 @!p0 s1  }
0x5c: {  	[bflag:$0x3] =	sbarrier.arrive $0xFFFF  }
0x5d: {  	_ =	shalt  }

// kernel: kernel.21.cloned.1.call-start
scs
__scs_entry_jumppad:
0x0: {  	(pc) =	sbr.rel $0x88, $3  }
0x1: {  	(tag) =	ssettag $0x0;
	lr =	simm.s32 $0x1  }
0x2: {  	[smem:$0x3F99] =	sst lr;
	_ =	strace $0xD0000000  }
0x3: {  	_ = 	snop  }
0x4: {  	_ = 	snop  }
0x5: {  	_ = 	snop  }
0x6: {  	_ = 	snop  }
0x7: {  	_ = 	snop  }
__scs_overlays_trampoline_lowered:
0x8: {  	[smem:$0x3FA8] =	sst s0  }
0x9: {  	[smem:$0x3FA9] =	sst s1  }
0xa: {  	[smem:$0x3FAA] =	sst s2  }
0xb: {  	[smem:$0x3FAB] =	sst s3  }
0xc: {  	[smem:$0x3FAC] =	sst s4  }
0xd: {  	[smem:$0x3FAD] =	sst s5  }
0xe: {  	[smem:$0x3FAE] =	sst s6  }
0xf: {  	[smem:$0x3FAF] =	sst s7  }
0x10: {  	[smem:$0x3FB0] =	sst s8  }
0x11: {  	[smem:$0x3FB1] =	sst s9;
	s0 =	simm.s32 @!p0 $0x0  }
0x12: {  	s1 =	sld [smem:$0x3F97];
	s0 =	simm.s32 @p0 $0x1  }
0x13: {  	[smem:$0x3FB2] =	sst s0;
	s0 =	simm.s32 @!p1 $0x0  }
0x14: {  	s2 =	sld [smem:$0x3F96];
	s0 =	simm.s32 @p1 $0x1  }
0x15: {  	[smem:$0x3FB3] =	sst s0;
	s0 =	simm.s32 @!p2 $0x0  }
0x16: {  	s3 =	sld [smem:$0x3FDB];
	s0 =	simm.s32 @p2 $0x1  }
0x17: {  	s4 =	simm.s32 $0x1BF5;
	[smem:$0x3FB5] =	sst s0  }
0x18: {  	s0 =	sld [smem:$0x3F98];
	_ =	swait.ge [sflag:s4], $0x0  }
0x19: {  	s7 =	sld [smem:$0x3F99]  }
0x1a: {  	s8 =	sadd.s32 $0xFFFFE003, lr  }
0x1b: {  	s9 =	sadd.s32 $0xFFFFFEF7, lr;
	s5 =	simm.s32 $0xFFFFFFFF;
	p2 =	slt.u32 s8, $0xFFFFF086  }
0x1c: {  	p1 =	slt.u32 s9, $0xF7A;
	s5 =	simm.s32 @!p2 $0x0  }
0x1d: {  	s5 =	simm.s32 @p1 $0x1;
	p0 =	seq.s32 s7, s2  }
0x1e: {  	s7 =	smul.u32 @!p0 $0xF7A, s2;
	p2 =	seq.s32 @!p0 s5, $0x0  }
0x1f: {  	s9 =	smul.u32 $0xF7A, s1;
	s8 =	simm.s32 @!p0 $0x1BF5;
	p2 =	por !p2, p0  }
0x20: {  	[sflag:s8] =	ssyncset.s32 @!p0 $0xFFFFF086;
	s6 =	sadd.s32 @!p0 s3, s7;
	s7 =	simm.s32 @!p0 $0x108  }
0x21: {  	s3 =	sadd.s32 s3, s9;
	s6 =	sadd.s32 @!p0 $0x88, s6;
	s7 =	simm.s32 @p2 $0x1082  }
0x22: {  	[simem:s7], [sflag:s8] =	dma.local @!p0 [hbm:s6], $0xF7A  }
0x23: {  	s9 =	sor.u32 $0xD0000000, s2;
	s6 =	simm.s32 $0x108;
	_ =	swait.ge @!p0 [sflag:s8], $0x0  }
0x24: {  	s3 =	sadd.s32 $0x88, s3;
	s6 =	simm.s32 @!p1 $0x1082;
	[sflag:s4] =	ssyncset.s32 $0xFFFFF086  }
0x25: {  	[simem:s6], [sflag:s4] =	dma.local [hbm:s3], $0xF7A  }
0x26: {  	[smem:$0x3F99] =	sst s1;
	(tag) =	ssettag s2;
	_ =	strace s9  }
0x27: {  	s1 =	sld [smem:$0x3FA9]  }
0x28: {  	s2 =	sld [smem:$0x3FAA]  }
0x29: {  	s4 =	sld [smem:$0x3FAC]  }
0x2a: {  	p0 =	seq.s32 s5, $0x0;
	s5 =	sld [smem:$0x3FAD]  }
0x2b: {  	s6 =	sld [smem:$0x3FAE]  }
0x2c: {  	s7 =	sld [smem:$0x3FAF]  }
0x2d: {  	s3 =	simm.s32 $0x108;
	s8 =	sld [smem:$0x3FB0]  }
0x2e: {  	s3 =	simm.s32 @!p0 $0x1082;
	s9 =	sld [smem:$0x3FB1]  }
0x2f: {  	lr =	sadd.s32 s0, s3;
	s0 =	sld [smem:$0x3FA8]  }
0x30: {  	s3 =	sld [smem:$0x3FAB]  }
0x31: {  	[smem:$0x3FB4] =	sst s10  }
0x32: {  	s10 =	sld [smem:$0x3FB2];
	_ =	sdelay $0x3  }
0x33: {  	p0 =	seq.s32 s10, $0x1;
	s10 =	sld [smem:$0x3FB4];
	_ =	sdelay $0x3  }
0x34: {  	[smem:$0x3FB4] =	sst s10  }
0x35: {  	s10 =	sld [smem:$0x3FB3];
	_ =	sdelay $0x3  }
0x36: {  	p1 =	seq.s32 s10, $0x1;
	s10 =	sld [smem:$0x3FB4];
	_ =	sdelay $0x3  }
0x37: {  	[smem:$0x3FB4] =	sst s10  }
0x38: {  	s10 =	sld [smem:$0x3FB5]  }
0x39: {  	_ = 	snop;
	(pc) =	sbr.ind lr, $3  }
0x3a: {  	_ = 	snop  }
0x3b: {  	_ = 	snop  }
0x3c: {  	p2 =	seq.s32 s10, $0x1;
	s10 =	sld [smem:$0x3FB4]  }
0x3d: {  	_ =	shalt  }
0x3e: {  	_ =	shalt  }
0x3f: {  	_ =	shalt  }
0x40: {  	_ =	shalt  }
0x41: {  	_ =	shalt  }
0x42: {  	_ =	shalt  }
0x43: {  	_ =	shalt  }
0x44: {  	_ =	shalt  }
0x45: {  	_ =	shalt  }
0x46: {  	_ =	shalt  }
0x47: {  	_ =	shalt  }
0x48: {  	_ =	shalt  }
0x49: {  	_ =	shalt  }
0x4a: {  	_ =	shalt  }
0x4b: {  	_ =	shalt  }
0x4c: {  	_ =	shalt  }
0x4d: {  	_ =	shalt  }
0x4e: {  	_ =	shalt  }
0x4f: {  	_ =	shalt  }
0x50: {  	_ =	shalt  }
0x51: {  	_ =	shalt  }
0x52: {  	_ =	shalt  }
0x53: {  	_ =	shalt  }
0x54: {  	_ =	shalt  }
0x55: {  	_ =	shalt  }
0x56: {  	_ =	shalt  }
0x57: {  	_ =	shalt  }
0x58: {  	_ =	shalt  }
0x59: {  	_ =	shalt  }
0x5a: {  	_ =	shalt  }
0x5b: {  	_ =	shalt  }
0x5c: {  	_ =	shalt  }
0x5d: {  	_ =	shalt  }
0x5e: {  	_ =	shalt  }
0x5f: {  	_ =	shalt  }
0x60: {  	_ =	shalt  }
0x61: {  	_ =	shalt  }
0x62: {  	_ =	shalt  }
0x63: {  	_ =	shalt  }
0x64: {  	_ =	shalt  }
0x65: {  	_ =	shalt  }
0x66: {  	_ =	shalt  }
0x67: {  	_ =	shalt  }
0x68: {  	_ =	shalt  }
0x69: {  	_ =	shalt  }
0x6a: {  	_ =	shalt  }
0x6b: {  	_ =	shalt  }
0x6c: {  	_ =	shalt  }
0x6d: {  	_ =	shalt  }
0x6e: {  	_ =	shalt  }
0x6f: {  	_ =	shalt  }
0x70: {  	_ =	shalt  }
0x71: {  	_ =	shalt  }
0x72: {  	_ =	shalt  }
0x73: {  	_ =	shalt  }
0x74: {  	_ =	shalt  }
0x75: {  	_ =	shalt  }
0x76: {  	_ =	shalt  }
0x77: {  	_ =	shalt  }
0x78: {  	_ =	shalt  }
0x79: {  	_ =	shalt  }
0x7a: {  	_ =	shalt  }
0x7b: {  	_ =	shalt  }
0x7c: {  	_ =	shalt  }
0x7d: {  	_ =	shalt  }
0x7e: {  	_ =	shalt  }
0x7f: {  	_ =	shalt  }
0x80: {  	_ =	shalt  }
0x81: {  	_ =	shalt  }
0x82: {  	_ =	shalt  }
0x83: {  	_ =	shalt  }
0x84: {  	_ =	shalt  }
0x85: {  	_ =	shalt  }
0x86: {  	_ =	shalt  }
0x87: {  	_ =	shalt  }
.Lfunc_end0:
.L_simem_size_0:
called_computation.3_lowered:
.L_overlay_start_0:
0x88: {  	s2 =	sld [smem:$0x3FD9]  }
0x89: {  	s3 =	sld [smem:$0x3FFE];
	_ =	sdelay $0x1  }
0x8a: {  	s1 =	srdreg.scid  }
0x8b: {  	s0 =	sand.u32 $0x1, s1  }
0x8c: {  	s17 =	sshll.u32 s0, $0xA;
	s2 =	sadd.s32 s3, s2  }
0x8d: {  	s2 =	sadd.s32 s2, s17  }
0x8e: {  	[smem:$0x3FC0] =	sst s2  }
0x8f: {  	_ = 	snop  }
0x90: {  	s2 =	sld [smem:$0x3FD0];
	(tm) =	ssettm $0x1  }
0x91: {  	s18 =	sld [smem:$0x3FFB];
	_ =	sdelay $0x3  }
0x92: {  	_ =	strace s18  }
0x93: {  	s3 =	sld [smem:$0x3FFC];
	_ =	sdelay $0x3  }
0x94: {  	_ =	strace s3  }
0x95: {  	s3 =	sld [smem:$0x3FFD];
	_ =	sdelay $0x3  }
0x96: {  	_ =	strace s3  }
0x97: {  	_ =	strace $0x8FFFFFFF  }
0x98: {  	s19 =	sld [smem:$0x3FDB];
	_ =	sdelay $0x1  }
0x99: {  	s4 =	simm.s32 $_scs_section_size  }
0x9a: {  	s5 =	simm.s32 $_size__tile_overlayer_lowered;
	s6 =	simm.s32 $_tile_overlayer_lowered  }
0x9b: {  	s22 =	simm.s32 $0x1BFF;
	s21 =	sshll.u32 s6, $0x1;
	s3 =	sadd.s32 s4, s19  }
0x9c: {  	s7 =	simm.s32 $0x0;
	s20 =	sshll.u32 s5, $0x1;
	s5 =	sadd.s32 s21, s3  }
0x9d: {  	[timem:s7], [sflag:s22] =	dma.local [hbm:s5], s20  }
0x9e: {  	_ =	swait.ge [sflag:s22], s20  }
0x9f: {  	s4 =	ssub.s32 $0x0, s20;
	[sflag:s22] =	ssyncset.done $0x0  }
0xa0: {  	[sflag:s22] =	ssyncadd.s32 s4;
	_ =	sdelay $0x1  }
0xa1: {  	s23 =	simm.s32 $0x1B8B  }
0xa2: {  	_ =	swait.ge [sflag:s23], $0x1  }
0xa3: {  	[sflag:s23] =	ssyncset.done $0x0  }
0xa4: {  	s25 =	simm.s32 $0x1B8E;
	s24 =	sld [smem:$0x3FFE];
	[sflag:s23] =	ssyncadd.s32 $0xFFFFFFFF  }
0xa5: {  	s26 =	simm.s32 $execute0_lowered;
	[smem:$0x3FD2] =	sst s25  }
0xa6: {  	s5 =	sshll.u32 s26, $0x1;
	_ =	strace $0x8000004F;
	[dreg:$0x1] =	wrdreg $0xFFFFFFFF  }
0xa7: {  	s28 =	simm.s32 $_size_execute0_lowered;
	s3 =	sadd.s32 s3, s5;
	[dreg:$0x0] =	wrdreg $0x0  }
0xa8: {  	s5 =	sshll.u32 s28, $0x1;
	[dreg:$0x2] =	wrdreg s3  }
0xa9: {  	[dreg:$0x3] =	wrdreg s5  }
0xaa: {  	[dreg:$0x4] =	wrdreg $0xC0  }
0xab: {  	_ =	task [dreg:s7], $0x5FFFF  }
0xac: {  	[dreg:$0x1] =	wrdreg $0xFFFFFFFF  }
0xad: {  	[dreg:$0x0] =	wrdreg $0x60  }
0xae: {  	[dreg:$0x2] =	wrdreg s24  }
0xaf: {  	[dreg:$0x3] =	wrdreg s2  }
0xb0: {  	[dreg:$0x4] =	wrdreg $0x41000  }
0xb1: {  	[dreg:$0x5] =	wrdreg $0x9  }
0xb2: {  	_ =	task.clear_ibuf [dreg:s7], $0x6FFFF;
	_ =	strace $0x9000004F  }
0xb3: {  	s29 =	simm.s32 $0x9;
	_ =	strace $0x80000051  }
0xb4: {  	_ =	swait.ge [sflag:s29], $0x1  }
0xb5: {  	[sflag:s29] =	ssyncadd.s32 $0xFFFFFFFF  }
0xb6: {  	_ =	strace $0x90000051  }
0xb7: {  	_ =	sfence  }
0xb8: {  	s30 =	sld [smem:$0x0];
	_ =	sdelay $0x2  }
0xb9: {  	s31 =	sshll.u32 s1, $0xD;
	s1 =	sshrl.u32 s1, $0x2  }
0xba: {  	s3 =	sand.u32 $0x4000, s31;
	s1 =	sadd.s32 s1, s30  }
0xbb: {  	s0 =	sor.u32 s3, s0;
	s1 =	sshll.u32 s1, $0x11  }
0xbc: {  	s0 =	sor.u32 s1, s0  }
0xbd: {  	s0 =	sadd.s32 $0x8F2B, s0  }
0xbe: {  	[sflag:s0] =	ssyncadd.remote.s32 $0x1  }
0xbf: {  	_ =	sfence.sel $0xFFFF  }
0xc0: {  	[dreg:$0x0] =	wrdreg $0xFFFFFFFF;
	(pc) =	sbr.abs _section_cstart, $3  }
0xc1: {  	[dreg:$0x1] =	wrdreg $0xFFFFFFFF  }
0xc2: {  	_ =	task.clear_ibuf [dreg:s7], $0x2FFFF;
	_ =	strace $0x9FFFFFFF  }
0xc3: {  	(tm) =	ssettm $0x7FFFFFFF  }
tec
execute0_lowered:
.L_overlay_start_1:
0x0: {  	(tag) =	ssettag $0x1  }
0x1: {  	s7 =	rddreg [dreg:$0x0]  }
0x2: {  	s2 =	rddreg [dreg:$0x1]  }
0x3: {  	s3 =	rddreg [dreg:$0x2]  }
0x4: {  	s0 =	rddreg [dreg:$0x3];
	s4 =	simm.s32 $0x0;
	s1 =	stileid.u32  }
0x5: {  	s5 =	srdreg.scid;
	s15 =	simm.s32 $0x100;
	s16 =	simm.s32 $0x1  }
0x6: {  	s17 =	simm.s32 $0x0;
	[smem:$0x7FF] =	sst s4;
	s8 =	smul.u32 $0x14000, s1  }
0x7: {  	s9 =	sand.u32 $0x1, s5;
	s5 =	sadd.s32 $0x35800, s7;
	s6 =	sadd.s32 $0x3800, s7  }
0x8: {  	s13 =	smul.u32 $0x50000, s1;
	s31 =	sshll.u32 s1, $0x6;
	_ =	strace $0x80000050  }
0x9: {  	s10 =	smul.u32 $0x140000, s9;
	s28 =	ssub.s32 $0x2, s9;
	s29 =	sshll.u32 s9, $0x4  }
0xa: {  	s11 =	sshrl.u32 s8, $0x3;
	s12 =	sshrl.u32 s28, $0x1;
	s9 =	sor.u32 s1, s29  }
0xb: {  	s30 =	sshrl.u32 s13, $0x2;
	s11 =	sadd.s32 s11, s7;
	s8 =	sadd.s32 s8, s10  }
0xc: {  	s12 =	ssub.s32 s28, s12;
	s13 =	sadd.s32 s30, s3;
	s8 =	sshrl.u32 s8, $0x3  }
0xd: {  	s9 =	smul.u32 $0x2800, s9;
	s14 =	sadd.s32 s8, s7;
	s7 =	sadd.s32 $0xD800, s11  }
0xe: {  	s8 =	sor.u32 $0x1C02, s31;
	s11 =	smax.u32 s12, $0x1;
	s12 =	sshrl.u32 s13, $0x3  }
0xf: {  	s13 =	simm.s32 $0x2;
	s10 =	sadd.s32 $0x5D800, s14;
	s14 =	simm.s32 $0x80  }
.LBB2_1:
0x10: {  	[spmem:s12], [sflag:s8] =	dma.local [hbm:s7], $0x2800  }
0x11: {  	s18 =	sand.u32 $0x3C00, s4  }
0x12: {  	s19 =	sand.u32 $0x380, s4;
	_ =	swait.ge [sflag:s13], $0x2800;
	s18 =	sadd.s32 s9, s18  }
0x13: {  	[sflag:s13] =	ssyncset.done $0x0;
	s18 =	sor.u32 s19, s18  }
0x14: {  	[sflag:s13] =	ssyncadd.s32 $0xFFFFD800;
	s18 =	sshrl.u32 s18, $0x3  }
0x15: {  	[bflag:$0x0] =	sbarrier.arrive $0xFFFF;
	s29 =	sadd.s32 s2, s18  }
0x16: {  	[tilespmem:s4], [sflag:$0x2] =	stream.linear.gather [hbm4b:s29+s4], $0x80, $0x38;
	[tilespmem:$0x18100] =	vst v63  }
0x17: {  	_ =	swait.ge [sflag:s13], $0x80  }
0x18: {  	[sflag:s13] =	ssyncset.done $0x0  }
0x19: {  	[sflag:s13] =	ssyncadd.s32 $0xFFFFFF80  }
0x1a: {  	[tilespmem:s15], [sflag:$0x1] =	stream.indirect.gather [hbm4b:s5+s14], $0x80, s4, s14, $0xb8;
	[tilespmem:$0x18100] =	vst v63  }
0x1b: {  	_ =	swait.ge [sflag:s16], $0x4000  }
0x1c: {  	[sflag:s16] =	ssyncset.done $0x0  }
0x1d: {  	s18 =	sadd.s32 s6, s18;
	[sflag:s16] =	ssyncadd.s32 $0xFFFFC000  }
0x1e: {  	[tilespmem:s14], [sflag:$0x2] =	stream.linear.gather [hbm4b:s18+s4], $0x80, $0x38;
	[tilespmem:$0x18100] =	vst v63  }
0x1f: {  	_ =	swait.ge [sflag:s13], $0x80  }
0x20: {  	s30 =	simm.s32 $0x80;
	[sflag:s13] =	ssyncset.done $0x0  }
0x21: {  	s31 =	sand.u32 $0x3C00, s30;
	[sflag:s13] =	ssyncadd.s32 $0xFFFFFF80  }
0x22: {  	[spmem:s3] =	stream.indirect.scatter.add.f32 [tilespmem:s15], [sflag:$0x2], $0x80, s14, s14, $0xb8;
	[tilespmem:$0x18100] =	vst v63  }
0x23: {  	s20 =	sand.u32 $0x380, s30;
	s19 =	sadd.s32 s9, s31;
	_ =	swait.ge [sflag:s13], $0x4000  }
0x24: {  	s19 =	sor.u32 s20, s19;
	s18 =	simm.s32 $0x100;
	[sflag:s13] =	ssyncset.done $0x0  }
.LBB2_2:
0x25: {  	s19 =	sshrl.u32 s19, $0x3  }
0x26: {  	[sflag:s13] =	ssyncadd.s32 $0xFFFFC000;
	s20 =	smov.u32 s18;
	s21 =	sadd.s32 $0x80, s18  }
0x27: {  	p0 =	sne.s32 s18, $0x2700;
	s18 =	sadd.s32 s2, s19  }
0x28: {  	[tilespmem:s4], [sflag:$0x2] =	stream.linear.gather [hbm4b:s18+s4], $0x80, $0x38;
	[tilespmem:$0x18100] =	vst v63  }
0x29: {  	_ =	swait.ge [sflag:s13], $0x80  }
0x2a: {  	[sflag:s13] =	ssyncset.done $0x0  }
0x2b: {  	[sflag:s13] =	ssyncadd.s32 $0xFFFFFF80  }
0x2c: {  	[tilespmem:s15], [sflag:$0x1] =	stream.indirect.gather [hbm4b:s5+s14], $0x80, s4, s14, $0xb8;
	[tilespmem:$0x18100] =	vst v63  }
0x2d: {  	_ =	swait.ge [sflag:s16], $0x4000  }
0x2e: {  	[sflag:s16] =	ssyncset.done $0x0  }
0x2f: {  	s18 =	sadd.s32 s6, s19;
	[sflag:s16] =	ssyncadd.s32 $0xFFFFC000  }
0x30: {  	[tilespmem:s14], [sflag:$0x2] =	stream.linear.gather [hbm4b:s18+s4], $0x80, $0x38;
	[tilespmem:$0x18100] =	vst v63  }
0x31: {  	_ =	swait.ge [sflag:s13], $0x80  }
.Ltmp0:
0x32: {  	[sflag:s13] =	ssyncset.done $0x0;
	(pc) =	sbr.rel @p0 .LBB2_2-.Ltmp0, $4  }
0x33: {  	s18 =	sand.u32 $0x3C00, s20;
	[sflag:s13] =	ssyncadd.s32 $0xFFFFFF80  }
0x34: {  	[spmem:s3] =	stream.indirect.scatter.add.f32 [tilespmem:s15], [sflag:$0x2], $0x80, s14, s14, $0xb8;
	[tilespmem:$0x18100] =	vst v63  }
0x35: {  	s19 =	sand.u32 $0x380, s20;
	s18 =	sadd.s32 s9, s18;
	_ =	swait.ge [sflag:s13], $0x4000  }
0x36: {  	s19 =	sor.u32 s19, s18;
	s18 =	smov.u32 s21;
	[sflag:s13] =	ssyncset.done $0x0  }
0x37: {  	s18 =	sshrl.u32 s19, $0x3  }
0x38: {  	[sflag:s13] =	ssyncadd.s32 $0xFFFFC000;
	s19 =	sadd.s32 s2, s18  }
0x39: {  	[tilespmem:s4], [sflag:$0x2] =	stream.linear.gather [hbm4b:s19+s4], $0x80, $0x38;
	[tilespmem:$0x18100] =	vst v63  }
0x3a: {  	_ =	swait.ge [sflag:s13], $0x80  }
0x3b: {  	[sflag:s13] =	ssyncset.done $0x0  }
0x3c: {  	[sflag:s13] =	ssyncadd.s32 $0xFFFFFF80  }
0x3d: {  	[tilespmem:s15], [sflag:$0x1] =	stream.indirect.gather [hbm4b:s5+s14], $0x80, s4, s14, $0xb8;
	[tilespmem:$0x18100] =	vst v63  }
0x3e: {  	_ =	swait.ge [sflag:s16], $0x4000  }
0x3f: {  	[sflag:s16] =	ssyncset.done $0x0  }
0x40: {  	s18 =	sadd.s32 s6, s18;
	[sflag:s16] =	ssyncadd.s32 $0xFFFFC000  }
0x41: {  	[tilespmem:s14], [sflag:$0x2] =	stream.linear.gather [hbm4b:s18+s4], $0x80, $0x38;
	[tilespmem:$0x18100] =	vst v63  }
0x42: {  	_ =	swait.ge [sflag:s13], $0x80  }
0x43: {  	[sflag:s13] =	ssyncset.done $0x0  }
0x44: {  	[sflag:s13] =	ssyncadd.s32 $0xFFFFFF80  }
0x45: {  	[spmem:s3] =	stream.indirect.scatter.add.f32 [tilespmem:s15], [sflag:$0x2], $0x80, s14, s14, $0xb8;
	[tilespmem:$0x18100] =	vst v63  }
0x46: {  	_ =	swait.ge [sflag:s13], $0x4000  }
0x47: {  	s17 =	sadd.s32 $0x1, s17;
	[sflag:s13] =	ssyncset.done $0x0  }
0x48: {  	p0 =	sne.s32 s17, s11;
	[sflag:s13] =	ssyncadd.s32 $0xFFFFC000  }
.Ltmp1:
0x49: {  	[bflag:$0x0] =	sbarrier.arrive $0xFFFF;
	(pc) =	sbr.rel @p0 .LBB2_1-.Ltmp1, $4  }
0x4a: {  	[hbm:s10], [sflag:s8] =	dma.local [spmem:s12], $0x2800  }
0x4b: {  	_ =	swait.ge [sflag:s13], $0x2800  }
0x4c: {  	[sflag:s13] =	ssyncset.done $0x0  }
0x4d: {  	[sflag:s13] =	ssyncadd.s32 $0xFFFFD800  }
0x4e: {  	_ =	sfence.sel $0x180000  }
0x4f: {  	[bflag:$0x0] =	sbarrier.arrive $0xFFFF  }
0x50: {  	p0 =	sne.s32 s1, $0x0;
	_ =	strace $0x90000050  }
0x51: {  	s0 =	sadd.s32 @!p0 $0x100000, s0;
	[bflag:$0x2] =	sbarrier.arrive $0xFFFF  }
0x52: {  	[sflag:s0] =	ssyncadd.tile.s32 @!p0 $0x1;
	_ =	shalt  }
.Lfunc_end2:
_tile_overlayer_lowered:
.L_overlay_start_2:
0x53: {  	(tag) =	ssettag $0x2  }
0x54: {  	s0 =	rddreg [dreg:$0x0];
	s2 =	stileid.u32  }
0x55: {  	s1 =	rddreg [dreg:$0x1];
	p0 =	sne.s32 s2, $0x0  }
0x56: {  	s3 =	rddreg [dreg:$0x2];
	[bflag:$0x3] =	sbarrier.arrive $0xFFFF;
	s2 =	simm.s32 @!p0 $0x1C02  }
0x57: {  	[timem:s3], [sflag:s2] =	dma.local @!p0 [hbm:s0], s1  }
0x58: {  	s0 =	simm.s32 @!p0 $0x2  }
0x59: {  	_ =	swait.ge @!p0 [sflag:s0], s1  }
0x5a: {  	s1 =	ssub.s32 @!p0 $0x0, s1;
	[sflag:s0] =	ssyncset.done @!p0 $0x0  }
0x5b: {  	[sflag:s0] =	ssyncadd.s32 @!p0 s1  }
0x5c: {  	[bflag:$0x3] =	sbarrier.arrive $0xFFFF  }
0x5d: {  	_ =	shalt  }

// kernel: kernel.24.cloned.1.call-start
scs
__scs_entry_jumppad:
0x0: {  	(pc) =	sbr.rel $0x88, $3  }
0x1: {  	(tag) =	ssettag $0x0;
	lr =	simm.s32 $0x1  }
0x2: {  	[smem:$0x3F99] =	sst lr;
	_ =	strace $0xD0000000  }
0x3: {  	_ = 	snop  }
0x4: {  	_ = 	snop  }
0x5: {  	_ = 	snop  }
0x6: {  	_ = 	snop  }
0x7: {  	_ = 	snop  }
__scs_overlays_trampoline_lowered:
0x8: {  	[smem:$0x3FA8] =	sst s0  }
0x9: {  	[smem:$0x3FA9] =	sst s1  }
0xa: {  	[smem:$0x3FAA] =	sst s2  }
0xb: {  	[smem:$0x3FAB] =	sst s3  }
0xc: {  	[smem:$0x3FAC] =	sst s4  }
0xd: {  	[smem:$0x3FAD] =	sst s5  }
0xe: {  	[smem:$0x3FAE] =	sst s6  }
0xf: {  	[smem:$0x3FAF] =	sst s7  }
0x10: {  	[smem:$0x3FB0] =	sst s8  }
0x11: {  	[smem:$0x3FB1] =	sst s9;
	s0 =	simm.s32 @!p0 $0x0  }
0x12: {  	s1 =	sld [smem:$0x3F97];
	s0 =	simm.s32 @p0 $0x1  }
0x13: {  	[smem:$0x3FB2] =	sst s0;
	s0 =	simm.s32 @!p1 $0x0  }
0x14: {  	s2 =	sld [smem:$0x3F96];
	s0 =	simm.s32 @p1 $0x1  }
0x15: {  	[smem:$0x3FB3] =	sst s0;
	s0 =	simm.s32 @!p2 $0x0  }
0x16: {  	s3 =	sld [smem:$0x3FDB];
	s0 =	simm.s32 @p2 $0x1  }
0x17: {  	s4 =	simm.s32 $0x1BF5;
	[smem:$0x3FB5] =	sst s0  }
0x18: {  	s0 =	sld [smem:$0x3F98];
	_ =	swait.ge [sflag:s4], $0x0  }
0x19: {  	s7 =	sld [smem:$0x3F99]  }
0x1a: {  	s8 =	sadd.s32 $0xFFFFE003, lr  }
0x1b: {  	s9 =	sadd.s32 $0xFFFFFEF7, lr;
	s5 =	simm.s32 $0xFFFFFFFF;
	p2 =	slt.u32 s8, $0xFFFFF086  }
0x1c: {  	p1 =	slt.u32 s9, $0xF7A;
	s5 =	simm.s32 @!p2 $0x0  }
0x1d: {  	s5 =	simm.s32 @p1 $0x1;
	p0 =	seq.s32 s7, s2  }
0x1e: {  	s7 =	smul.u32 @!p0 $0xF7A, s2;
	p2 =	seq.s32 @!p0 s5, $0x0  }
0x1f: {  	s9 =	smul.u32 $0xF7A, s1;
	s8 =	simm.s32 @!p0 $0x1BF5;
	p2 =	por !p2, p0  }
0x20: {  	[sflag:s8] =	ssyncset.s32 @!p0 $0xFFFFF086;
	s6 =	sadd.s32 @!p0 s3, s7;
	s7 =	simm.s32 @!p0 $0x108  }
0x21: {  	s3 =	sadd.s32 s3, s9;
	s6 =	sadd.s32 @!p0 $0x88, s6;
	s7 =	simm.s32 @p2 $0x1082  }
0x22: {  	[simem:s7], [sflag:s8] =	dma.local @!p0 [hbm:s6], $0xF7A  }
0x23: {  	s9 =	sor.u32 $0xD0000000, s2;
	s6 =	simm.s32 $0x108;
	_ =	swait.ge @!p0 [sflag:s8], $0x0  }
0x24: {  	s3 =	sadd.s32 $0x88, s3;
	s6 =	simm.s32 @!p1 $0x1082;
	[sflag:s4] =	ssyncset.s32 $0xFFFFF086  }
0x25: {  	[simem:s6], [sflag:s4] =	dma.local [hbm:s3], $0xF7A  }
0x26: {  	[smem:$0x3F99] =	sst s1;
	(tag) =	ssettag s2;
	_ =	strace s9  }
0x27: {  	s1 =	sld [smem:$0x3FA9]  }
0x28: {  	s2 =	sld [smem:$0x3FAA]  }
0x29: {  	s4 =	sld [smem:$0x3FAC]  }
0x2a: {  	p0 =	seq.s32 s5, $0x0;
	s5 =	sld [smem:$0x3FAD]  }
0x2b: {  	s6 =	sld [smem:$0x3FAE]  }
0x2c: {  	s7 =	sld [smem:$0x3FAF]  }
0x2d: {  	s3 =	simm.s32 $0x108;
	s8 =	sld [smem:$0x3FB0]  }
0x2e: {  	s3 =	simm.s32 @!p0 $0x1082;
	s9 =	sld [smem:$0x3FB1]  }
0x2f: {  	lr =	sadd.s32 s0, s3;
	s0 =	sld [smem:$0x3FA8]  }
0x30: {  	s3 =	sld [smem:$0x3FAB]  }
0x31: {  	[smem:$0x3FB4] =	sst s10  }
0x32: {  	s10 =	sld [smem:$0x3FB2];
	_ =	sdelay $0x3  }
0x33: {  	p0 =	seq.s32 s10, $0x1;
	s10 =	sld [smem:$0x3FB4];
	_ =	sdelay $0x3  }
0x34: {  	[smem:$0x3FB4] =	sst s10  }
0x35: {  	s10 =	sld [smem:$0x3FB3];
	_ =	sdelay $0x3  }
0x36: {  	p1 =	seq.s32 s10, $0x1;
	s10 =	sld [smem:$0x3FB4];
	_ =	sdelay $0x3  }
0x37: {  	[smem:$0x3FB4] =	sst s10  }
0x38: {  	s10 =	sld [smem:$0x3FB5]  }
0x39: {  	_ = 	snop;
	(pc) =	sbr.ind lr, $3  }
0x3a: {  	_ = 	snop  }
0x3b: {  	_ = 	snop  }
0x3c: {  	p2 =	seq.s32 s10, $0x1;
	s10 =	sld [smem:$0x3FB4]  }
0x3d: {  	_ =	shalt  }
0x3e: {  	_ =	shalt  }
0x3f: {  	_ =	shalt  }
0x40: {  	_ =	shalt  }
0x41: {  	_ =	shalt  }
0x42: {  	_ =	shalt  }
0x43: {  	_ =	shalt  }
0x44: {  	_ =	shalt  }
0x45: {  	_ =	shalt  }
0x46: {  	_ =	shalt  }
0x47: {  	_ =	shalt  }
0x48: {  	_ =	shalt  }
0x49: {  	_ =	shalt  }
0x4a: {  	_ =	shalt  }
0x4b: {  	_ =	shalt  }
0x4c: {  	_ =	shalt  }
0x4d: {  	_ =	shalt  }
0x4e: {  	_ =	shalt  }
0x4f: {  	_ =	shalt  }
0x50: {  	_ =	shalt  }
0x51: {  	_ =	shalt  }
0x52: {  	_ =	shalt  }
0x53: {  	_ =	shalt  }
0x54: {  	_ =	shalt  }
0x55: {  	_ =	shalt  }
0x56: {  	_ =	shalt  }
0x57: {  	_ =	shalt  }
0x58: {  	_ =	shalt  }
0x59: {  	_ =	shalt  }
0x5a: {  	_ =	shalt  }
0x5b: {  	_ =	shalt  }
0x5c: {  	_ =	shalt  }
0x5d: {  	_ =	shalt  }
0x5e: {  	_ =	shalt  }
0x5f: {  	_ =	shalt  }
0x60: {  	_ =	shalt  }
0x61: {  	_ =	shalt  }
0x62: {  	_ =	shalt  }
0x63: {  	_ =	shalt  }
0x64: {  	_ =	shalt  }
0x65: {  	_ =	shalt  }
0x66: {  	_ =	shalt  }
0x67: {  	_ =	shalt  }
0x68: {  	_ =	shalt  }
0x69: {  	_ =	shalt  }
0x6a: {  	_ =	shalt  }
0x6b: {  	_ =	shalt  }
0x6c: {  	_ =	shalt  }
0x6d: {  	_ =	shalt  }
0x6e: {  	_ =	shalt  }
0x6f: {  	_ =	shalt  }
0x70: {  	_ =	shalt  }
0x71: {  	_ =	shalt  }
0x72: {  	_ =	shalt  }
0x73: {  	_ =	shalt  }
0x74: {  	_ =	shalt  }
0x75: {  	_ =	shalt  }
0x76: {  	_ =	shalt  }
0x77: {  	_ =	shalt  }
0x78: {  	_ =	shalt  }
0x79: {  	_ =	shalt  }
0x7a: {  	_ =	shalt  }
0x7b: {  	_ =	shalt  }
0x7c: {  	_ =	shalt  }
0x7d: {  	_ =	shalt  }
0x7e: {  	_ =	shalt  }
0x7f: {  	_ =	shalt  }
0x80: {  	_ =	shalt  }
0x81: {  	_ =	shalt  }
0x82: {  	_ =	shalt  }
0x83: {  	_ =	shalt  }
0x84: {  	_ =	shalt  }
0x85: {  	_ =	shalt  }
0x86: {  	_ =	shalt  }
0x87: {  	_ =	shalt  }
.Lfunc_end0:
.L_simem_size_0:
called_computation.4_lowered:
.L_overlay_start_0:
0x88: {  	s2 =	sld [smem:$0x3FD9]  }
0x89: {  	s3 =	sld [smem:$0x3FFE];
	_ =	sdelay $0x1  }
0x8a: {  	s1 =	srdreg.scid  }
0x8b: {  	s0 =	sand.u32 $0x1, s1  }
0x8c: {  	s17 =	sshll.u32 s0, $0xA;
	s2 =	sadd.s32 s3, s2  }
0x8d: {  	s2 =	sadd.s32 s2, s17  }
0x8e: {  	[smem:$0x3FC0] =	sst s2  }
0x8f: {  	_ = 	snop  }
0x90: {  	s2 =	sld [smem:$0x3FD0];
	(tm) =	ssettm $0x1  }
0x91: {  	s18 =	sld [smem:$0x3FFB];
	_ =	sdelay $0x3  }
0x92: {  	_ =	strace s18  }
0x93: {  	s3 =	sld [smem:$0x3FFC];
	_ =	sdelay $0x3  }
0x94: {  	_ =	strace s3  }
0x95: {  	s3 =	sld [smem:$0x3FFD];
	_ =	sdelay $0x3  }
0x96: {  	_ =	strace s3  }
0x97: {  	_ =	strace $0x8FFFFFFF  }
0x98: {  	s19 =	sld [smem:$0x3FDB];
	_ =	sdelay $0x1  }
0x99: {  	s4 =	simm.s32 $_scs_section_size  }
0x9a: {  	s5 =	simm.s32 $_size__tile_overlayer_lowered;
	s6 =	simm.s32 $_tile_overlayer_lowered  }
0x9b: {  	s22 =	simm.s32 $0x1BFF;
	s21 =	sshll.u32 s6, $0x1;
	s3 =	sadd.s32 s4, s19  }
0x9c: {  	s7 =	simm.s32 $0x0;
	s20 =	sshll.u32 s5, $0x1;
	s5 =	sadd.s32 s21, s3  }
0x9d: {  	[timem:s7], [sflag:s22] =	dma.local [hbm:s5], s20  }
0x9e: {  	_ =	swait.ge [sflag:s22], s20  }
0x9f: {  	s4 =	ssub.s32 $0x0, s20;
	[sflag:s22] =	ssyncset.done $0x0  }
0xa0: {  	[sflag:s22] =	ssyncadd.s32 s4;
	_ =	sdelay $0x1  }
0xa1: {  	s23 =	simm.s32 $0x1B8B  }
0xa2: {  	_ =	swait.ge [sflag:s23], $0x1  }
0xa3: {  	[sflag:s23] =	ssyncset.done $0x0  }
0xa4: {  	s25 =	simm.s32 $0x1B8E;
	s24 =	sld [smem:$0x3FFE];
	[sflag:s23] =	ssyncadd.s32 $0xFFFFFFFF  }
0xa5: {  	s26 =	simm.s32 $execute0_lowered;
	[smem:$0x3FD2] =	sst s25  }
0xa6: {  	s5 =	sshll.u32 s26, $0x1;
	_ =	strace $0x80000052;
	[dreg:$0x1] =	wrdreg $0xFFFFFFFF  }
0xa7: {  	s28 =	simm.s32 $_size_execute0_lowered;
	s3 =	sadd.s32 s3, s5;
	[dreg:$0x0] =	wrdreg $0x0  }
0xa8: {  	s5 =	sshll.u32 s28, $0x1;
	[dreg:$0x2] =	wrdreg s3  }
0xa9: {  	[dreg:$0x3] =	wrdreg s5  }
0xaa: {  	[dreg:$0x4] =	wrdreg $0xC0  }
0xab: {  	_ =	task [dreg:s7], $0x5FFFF  }
0xac: {  	[dreg:$0x1] =	wrdreg $0xFFFFFFFF  }
0xad: {  	[dreg:$0x0] =	wrdreg $0x60  }
0xae: {  	[dreg:$0x2] =	wrdreg s24  }
0xaf: {  	[dreg:$0x3] =	wrdreg s2  }
0xb0: {  	[dreg:$0x4] =	wrdreg $0x41000  }
0xb1: {  	[dreg:$0x5] =	wrdreg $0x9  }
0xb2: {  	_ =	task.clear_ibuf [dreg:s7], $0x6FFFF;
	_ =	strace $0x90000052  }
0xb3: {  	s29 =	simm.s32 $0x9;
	_ =	strace $0x80000054  }
0xb4: {  	_ =	swait.ge [sflag:s29], $0x1  }
0xb5: {  	[sflag:s29] =	ssyncadd.s32 $0xFFFFFFFF  }
0xb6: {  	_ =	strace $0x90000054  }
0xb7: {  	_ =	sfence  }
0xb8: {  	s30 =	sld [smem:$0x0];
	_ =	sdelay $0x2  }
0xb9: {  	s31 =	sshll.u32 s1, $0xD;
	s1 =	sshrl.u32 s1, $0x2  }
0xba: {  	s3 =	sand.u32 $0x4000, s31;
	s1 =	sadd.s32 s1, s30  }
0xbb: {  	s0 =	sor.u32 s3, s0;
	s1 =	sshll.u32 s1, $0x11  }
0xbc: {  	s0 =	sor.u32 s1, s0  }
0xbd: {  	s0 =	sadd.s32 $0x8F2B, s0  }
0xbe: {  	[sflag:s0] =	ssyncadd.remote.s32 $0x1  }
0xbf: {  	_ =	sfence.sel $0xFFFF  }
0xc0: {  	[dreg:$0x0] =	wrdreg $0xFFFFFFFF;
	(pc) =	sbr.abs _section_cstart, $3  }
0xc1: {  	[dreg:$0x1] =	wrdreg $0xFFFFFFFF  }
0xc2: {  	_ =	task.clear_ibuf [dreg:s7], $0x2FFFF;
	_ =	strace $0x9FFFFFFF  }
0xc3: {  	(tm) =	ssettm $0x7FFFFFFF  }
tec
execute0_lowered:
.L_overlay_start_1:
0x0: {  	(tag) =	ssettag $0x1  }
0x1: {  	s7 =	rddreg [dreg:$0x0]  }
0x2: {  	s2 =	rddreg [dreg:$0x1]  }
0x3: {  	s3 =	rddreg [dreg:$0x2]  }
0x4: {  	s0 =	rddreg [dreg:$0x3];
	s4 =	simm.s32 $0x0;
	s1 =	stileid.u32  }
0x5: {  	s5 =	srdreg.scid;
	s15 =	simm.s32 $0x100;
	s16 =	simm.s32 $0x1  }
0x6: {  	s17 =	simm.s32 $0x0;
	[smem:$0x7FF] =	sst s4;
	s8 =	smul.u32 $0x14000, s1  }
0x7: {  	s9 =	sand.u32 $0x1, s5;
	s5 =	sadd.s32 $0x35800, s7;
	s6 =	sadd.s32 $0x3800, s7  }
0x8: {  	s13 =	smul.u32 $0x50000, s1;
	s31 =	sshll.u32 s1, $0x6;
	_ =	strace $0x80000053  }
0x9: {  	s10 =	smul.u32 $0x140000, s9;
	s28 =	ssub.s32 $0x2, s9;
	s29 =	sshll.u32 s9, $0x4  }
0xa: {  	s11 =	sshrl.u32 s8, $0x3;
	s12 =	sshrl.u32 s28, $0x1;
	s9 =	sor.u32 s1, s29  }
0xb: {  	s30 =	sshrl.u32 s13, $0x2;
	s11 =	sadd.s32 s11, s7;
	s8 =	sadd.s32 s8, s10  }
0xc: {  	s12 =	ssub.s32 s28, s12;
	s13 =	sadd.s32 s30, s3;
	s8 =	sshrl.u32 s8, $0x3  }
0xd: {  	s9 =	smul.u32 $0x2800, s9;
	s14 =	sadd.s32 s8, s7;
	s7 =	sadd.s32 $0xD800, s11  }
0xe: {  	s8 =	sor.u32 $0x1C02, s31;
	s11 =	smax.u32 s12, $0x1;
	s12 =	sshrl.u32 s13, $0x3  }
0xf: {  	s13 =	simm.s32 $0x2;
	s10 =	sadd.s32 $0x5D800, s14;
	s14 =	simm.s32 $0x80  }
.LBB2_1:
0x10: {  	[spmem:s12], [sflag:s8] =	dma.local [hbm:s7], $0x2800  }
0x11: {  	s18 =	sand.u32 $0x3C00, s4  }
0x12: {  	s19 =	sand.u32 $0x380, s4;
	_ =	swait.ge [sflag:s13], $0x2800;
	s18 =	sadd.s32 s9, s18  }
0x13: {  	[sflag:s13] =	ssyncset.done $0x0;
	s18 =	sor.u32 s19, s18  }
0x14: {  	[sflag:s13] =	ssyncadd.s32 $0xFFFFD800;
	s18 =	sshrl.u32 s18, $0x3  }
0x15: {  	[bflag:$0x0] =	sbarrier.arrive $0xFFFF;
	s29 =	sadd.s32 s2, s18  }
0x16: {  	[tilespmem:s4], [sflag:$0x2] =	stream.linear.gather [hbm4b:s29+s4], $0x80, $0x38;
	[tilespmem:$0x18100] =	vst v63  }
0x17: {  	_ =	swait.ge [sflag:s13], $0x80  }
0x18: {  	[sflag:s13] =	ssyncset.done $0x0  }
0x19: {  	[sflag:s13] =	ssyncadd.s32 $0xFFFFFF80  }
0x1a: {  	[tilespmem:s15], [sflag:$0x1] =	stream.indirect.gather [hbm4b:s5+s14], $0x80, s4, s14, $0xb8;
	[tilespmem:$0x18100] =	vst v63  }
0x1b: {  	_ =	swait.ge [sflag:s16], $0x4000  }
0x1c: {  	[sflag:s16] =	ssyncset.done $0x0  }
0x1d: {  	s18 =	sadd.s32 s6, s18;
	[sflag:s16] =	ssyncadd.s32 $0xFFFFC000  }
0x1e: {  	[tilespmem:s14], [sflag:$0x2] =	stream.linear.gather [hbm4b:s18+s4], $0x80, $0x38;
	[tilespmem:$0x18100] =	vst v63  }
0x1f: {  	_ =	swait.ge [sflag:s13], $0x80  }
0x20: {  	s30 =	simm.s32 $0x80;
	[sflag:s13] =	ssyncset.done $0x0  }
0x21: {  	s31 =	sand.u32 $0x3C00, s30;
	[sflag:s13] =	ssyncadd.s32 $0xFFFFFF80  }
0x22: {  	[spmem:s3] =	stream.indirect.scatter.add.f32 [tilespmem:s15], [sflag:$0x2], $0x80, s14, s14, $0xb8;
	[tilespmem:$0x18100] =	vst v63  }
0x23: {  	s20 =	sand.u32 $0x380, s30;
	s19 =	sadd.s32 s9, s31;
	_ =	swait.ge [sflag:s13], $0x4000  }
0x24: {  	s19 =	sor.u32 s20, s19;
	s18 =	simm.s32 $0x100;
	[sflag:s13] =	ssyncset.done $0x0  }
.LBB2_2:
0x25: {  	s19 =	sshrl.u32 s19, $0x3  }
0x26: {  	[sflag:s13] =	ssyncadd.s32 $0xFFFFC000;
	s20 =	smov.u32 s18;
	s21 =	sadd.s32 $0x80, s18  }
0x27: {  	p0 =	sne.s32 s18, $0x2700;
	s18 =	sadd.s32 s2, s19  }
0x28: {  	[tilespmem:s4], [sflag:$0x2] =	stream.linear.gather [hbm4b:s18+s4], $0x80, $0x38;
	[tilespmem:$0x18100] =	vst v63  }
0x29: {  	_ =	swait.ge [sflag:s13], $0x80  }
0x2a: {  	[sflag:s13] =	ssyncset.done $0x0  }
0x2b: {  	[sflag:s13] =	ssyncadd.s32 $0xFFFFFF80  }
0x2c: {  	[tilespmem:s15], [sflag:$0x1] =	stream.indirect.gather [hbm4b:s5+s14], $0x80, s4, s14, $0xb8;
	[tilespmem:$0x18100] =	vst v63  }
0x2d: {  	_ =	swait.ge [sflag:s16], $0x4000  }
0x2e: {  	[sflag:s16] =	ssyncset.done $0x0  }
0x2f: {  	s18 =	sadd.s32 s6, s19;
	[sflag:s16] =	ssyncadd.s32 $0xFFFFC000  }
0x30: {  	[tilespmem:s14], [sflag:$0x2] =	stream.linear.gather [hbm4b:s18+s4], $0x80, $0x38;
	[tilespmem:$0x18100] =	vst v63  }
0x31: {  	_ =	swait.ge [sflag:s13], $0x80  }
.Ltmp0:
0x32: {  	[sflag:s13] =	ssyncset.done $0x0;
	(pc) =	sbr.rel @p0 .LBB2_2-.Ltmp0, $4  }
0x33: {  	s18 =	sand.u32 $0x3C00, s20;
	[sflag:s13] =	ssyncadd.s32 $0xFFFFFF80  }
0x34: {  	[spmem:s3] =	stream.indirect.scatter.add.f32 [tilespmem:s15], [sflag:$0x2], $0x80, s14, s14, $0xb8;
	[tilespmem:$0x18100] =	vst v63  }
0x35: {  	s19 =	sand.u32 $0x380, s20;
	s18 =	sadd.s32 s9, s18;
	_ =	swait.ge [sflag:s13], $0x4000  }
0x36: {  	s19 =	sor.u32 s19, s18;
	s18 =	smov.u32 s21;
	[sflag:s13] =	ssyncset.done $0x0  }
0x37: {  	s18 =	sshrl.u32 s19, $0x3  }
0x38: {  	[sflag:s13] =	ssyncadd.s32 $0xFFFFC000;
	s19 =	sadd.s32 s2, s18  }
0x39: {  	[tilespmem:s4], [sflag:$0x2] =	stream.linear.gather [hbm4b:s19+s4], $0x80, $0x38;
	[tilespmem:$0x18100] =	vst v63  }
0x3a: {  	_ =	swait.ge [sflag:s13], $0x80  }
0x3b: {  	[sflag:s13] =	ssyncset.done $0x0  }
0x3c: {  	[sflag:s13] =	ssyncadd.s32 $0xFFFFFF80  }
0x3d: {  	[tilespmem:s15], [sflag:$0x1] =	stream.indirect.gather [hbm4b:s5+s14], $0x80, s4, s14, $0xb8;
	[tilespmem:$0x18100] =	vst v63  }
0x3e: {  	_ =	swait.ge [sflag:s16], $0x4000  }
0x3f: {  	[sflag:s16] =	ssyncset.done $0x0  }
0x40: {  	s18 =	sadd.s32 s6, s18;
	[sflag:s16] =	ssyncadd.s32 $0xFFFFC000  }
0x41: {  	[tilespmem:s14], [sflag:$0x2] =	stream.linear.gather [hbm4b:s18+s4], $0x80, $0x38;
	[tilespmem:$0x18100] =	vst v63  }
0x42: {  	_ =	swait.ge [sflag:s13], $0x80  }
0x43: {  	[sflag:s13] =	ssyncset.done $0x0  }
0x44: {  	[sflag:s13] =	ssyncadd.s32 $0xFFFFFF80  }
0x45: {  	[spmem:s3] =	stream.indirect.scatter.add.f32 [tilespmem:s15], [sflag:$0x2], $0x80, s14, s14, $0xb8;
	[tilespmem:$0x18100] =	vst v63  }
0x46: {  	_ =	swait.ge [sflag:s13], $0x4000  }
0x47: {  	s17 =	sadd.s32 $0x1, s17;
	[sflag:s13] =	ssyncset.done $0x0  }
0x48: {  	p0 =	sne.s32 s17, s11;
	[sflag:s13] =	ssyncadd.s32 $0xFFFFC000  }
.Ltmp1:
0x49: {  	[bflag:$0x0] =	sbarrier.arrive $0xFFFF;
	(pc) =	sbr.rel @p0 .LBB2_1-.Ltmp1, $4  }
0x4a: {  	[hbm:s10], [sflag:s8] =	dma.local [spmem:s12], $0x2800  }
0x4b: {  	_ =	swait.ge [sflag:s13], $0x2800  }
0x4c: {  	[sflag:s13] =	ssyncset.done $0x0  }
0x4d: {  	[sflag:s13] =	ssyncadd.s32 $0xFFFFD800  }
0x4e: {  	_ =	sfence.sel $0x180000  }
0x4f: {  	[bflag:$0x0] =	sbarrier.arrive $0xFFFF  }
0x50: {  	p0 =	sne.s32 s1, $0x0;
	_ =	strace $0x90000053  }
0x51: {  	s0 =	sadd.s32 @!p0 $0x100000, s0;
	[bflag:$0x2] =	sbarrier.arrive $0xFFFF  }
0x52: {  	[sflag:s0] =	ssyncadd.tile.s32 @!p0 $0x1;
	_ =	shalt  }
.Lfunc_end2:
_tile_overlayer_lowered:
.L_overlay_start_2:
0x53: {  	(tag) =	ssettag $0x2  }
0x54: {  	s0 =	rddreg [dreg:$0x0];
	s2 =	stileid.u32  }
0x55: {  	s1 =	rddreg [dreg:$0x1];
	p0 =	sne.s32 s2, $0x0  }
0x56: {  	s3 =	rddreg [dreg:$0x2];
	[bflag:$0x3] =	sbarrier.arrive $0xFFFF;
	s2 =	simm.s32 @!p0 $0x1C02  }
0x57: {  	[timem:s3], [sflag:s2] =	dma.local @!p0 [hbm:s0], s1  }
0x58: {  	s0 =	simm.s32 @!p0 $0x2  }
0x59: {  	_ =	swait.ge @!p0 [sflag:s0], s1  }
0x5a: {  	s1 =	ssub.s32 @!p0 $0x0, s1;
	[sflag:s0] =	ssyncset.done @!p0 $0x0  }
0x5b: {  	[sflag:s0] =	ssyncadd.s32 @!p0 s1  }
0x5c: {  	[bflag:$0x3] =	sbarrier.arrive $0xFFFF  }
0x5d: {  	_ =	shalt  }

</sc_bundles>
